<compile_context>
chip_gen: v7x
topology: tpu7x:2x2x1
jax: 0.10.2.dev20260603
libtpu: 0.0.44.dev20260713+nightly
codegen_flags: <defaults>
</compile_context>

<pallas_src>
import functools
import jax
import jax.numpy as jnp
from jax import lax
from jax.experimental import pallas as pl
from jax.experimental.pallas import tpu as pltpu
from jax.experimental.pallas import tpu_sc as plsc

_K = 80
_NBUF = 2


@functools.partial(jax.jit, static_argnames=("n", "m", "d"))
def _pool(x, idx0, idx1, n, m, d):
    info = plsc.get_sparse_core_info()
    nc, ns, lanes = info.num_cores, info.num_subcores, info.num_lanes
    nw = nc * ns
    k = _K
    nbuf = _NBUF
    t_total = m // k
    n_max = -(-t_total // nw)
    n_grp = -(-n_max // nbuf)
    vecs = d // lanes

    mesh = plsc.VectorSubcoreMesh(core_axis_name="c", subcore_axis_name="s")

    @functools.partial(
        pl.kernel,
        out_type=jax.ShapeDtypeStruct((n + m, d), jnp.float32),
        mesh=mesh,
        scratch_types=(
            [pltpu.VMEM((k, d), jnp.float32) for _ in range(3 * nbuf)]
            + [pltpu.VMEM((n_max * k,), jnp.int32) for _ in range(2)]
            + [pltpu.SemaphoreType.DMA for _ in range(5 * nbuf)]
        ),
    )
    def sc_kernel(x_hbm, i0_hbm, i1_hbm, out_hbm, *scr):
        buf_a = scr[:nbuf]
        buf_b = scr[nbuf:2 * nbuf]
        buf_c = scr[2 * nbuf:3 * nbuf]
        i0_v, i1_v = scr[3 * nbuf], scr[3 * nbuf + 1]
        sems = scr[3 * nbuf + 2:]
        sem_a = sems[:nbuf]
        sem_b = sems[nbuf:2 * nbuf]
        sem_ps = sems[2 * nbuf:3 * nbuf]
        sem_cl = sems[3 * nbuf:4 * nbuf]
        sem_cs = sems[4 * nbuf:]

        wid = lax.axis_index("s") * nc + lax.axis_index("c")
        t0 = wid * t_total // nw
        t1 = (wid + 1) * t_total // nw
        n_loc = t1 - t0

        def avg_inplace(ba, bb):
            def row_body(r, c):
                for j in range(vecs):
                    sl = pl.ds(j * lanes, lanes)
                    ba[r, sl] = (ba[r, sl] + bb[r, sl]) * 0.5
                return c
            lax.fori_loop(0, k, row_body, 0)

        def wait_pstore(b):
            pltpu.make_async_copy(buf_a[b], out_hbm.at[pl.ds(0, k)],
                                  sem_ps[b]).wait()

        def wait_cstore(b):
            pltpu.make_async_copy(buf_c[b], out_hbm.at[pl.ds(0, k)],
                                  sem_cs[b]).wait()

        pltpu.sync_copy(i0_hbm.at[pl.ds(t0 * k, n_max * k)], i0_v)
        pltpu.sync_copy(i1_hbm.at[pl.ds(t0 * k, n_max * k)], i1_v)

        def grp(g, carry):
            for b in range(nbuf):
                j = g * nbuf + b
                t = t0 + j

                @pl.when(jnp.logical_and(g > 0, (g - 1) * nbuf + b < n_loc))
                def _():
                    wait_pstore(b)
                    wait_cstore(b)

                @pl.when(j < n_loc)
                def _():
                    pltpu.async_copy(x_hbm.at[i0_v.at[pl.ds(j * k, k)]],
                                     buf_a[b], sem_a[b])
                    pltpu.async_copy(x_hbm.at[i1_v.at[pl.ds(j * k, k)]],
                                     buf_b[b], sem_b[b])
                    pltpu.async_copy(x_hbm.at[pl.ds(t * k, k)], buf_c[b],
                                     sem_cl[b])
            for b in range(nbuf):
                j = g * nbuf + b
                t = t0 + j

                @pl.when(j < n_loc)
                def _():
                    pltpu.make_async_copy(x_hbm.at[pl.ds(0, k)], buf_c[b],
                                          sem_cl[b]).wait()
                    pltpu.async_copy(buf_c[b], out_hbm.at[pl.ds(t * k, k)],
                                     sem_cs[b])
                    pltpu.make_async_copy(x_hbm.at[i0_v.at[pl.ds(0, k)]],
                                          buf_a[b], sem_a[b]).wait()
                    pltpu.make_async_copy(x_hbm.at[i1_v.at[pl.ds(0, k)]],
                                          buf_b[b], sem_b[b]).wait()
                    avg_inplace(buf_a[b], buf_b[b])
                    pltpu.async_copy(buf_a[b],
                                     out_hbm.at[pl.ds(n + t * k, k)],
                                     sem_ps[b])
            return carry

        lax.fori_loop(0, n_grp, grp, 0)
        for b in range(nbuf):
            @pl.when((n_grp - 1) * nbuf + b < n_loc)
            def _():
                wait_pstore(b)
                wait_cstore(b)

    return sc_kernel(x, idx0, idx1)


def kernel(X, pool_idx):
    n, d = X.shape
    m = pool_idx.shape[1]
    idx = pool_idx[0].astype(jnp.int32)
    return _pool(X, idx[:, 0], idx[:, 1], n, m, d)

# --- scband reference (transcript-rebuilt; emitter-appended) ---
"""Pipeline reference for scband-graph-pooling-62070867362378 (READ-ONLY COPY).

The authoritative reference and input builder live on the scoring server;
editing this copy changes nothing except your own understanding.
"""

import jax, jax.numpy as jnp
import numpy as np

N = 50000
D = 256
M = 50000
POOL_ID = 1

def setup_inputs(seed: int = 0) -> dict:
    key = jax.random.key(seed)
    kx, ki = jax.random.split(key)
    X = jax.random.normal(kx, (N, D), dtype=jnp.float32)
    pool_idx = jax.random.randint(ki, (1, M, 2), 0, N, dtype=jnp.int64)
    return {"X": X, "pool_idx": pool_idx}

def reference(X, pool_idx):
    # Faithful translation of GraphPooling.call with pool_id=1
    idx = pool_idx[POOL_ID - 1]                     # [M, 2]
    gathered = jnp.take(X, idx, axis=0)             # [M, 2, D]
    add_feat = 0.5 * jnp.sum(gathered, axis=1)      # [M, D]
    outputs = jnp.concatenate([X, add_feat], axis=0)  # [N + M, D]
    return outputs

if __name__ == "__main__":
    import jax
    _d = setup_inputs()
    print(jax.jit(kernel)(*tuple(_d.values())))

</pallas_src>

<mosaic_0001>
#map = affine_map<(d0, d1) -> (0, 0)>
#map1 = affine_map<(d0, d1) -> (0)>
module attributes {stable_mosaic.version = 14 : i64} {
  func.func @sc_kernel(%arg0: i32, %arg1: i32, %arg2: memref<50000x256xf32, #tpu.memory_space<hbm>>, %arg3: memref<50000xi32, #tpu.memory_space<hbm>>, %arg4: memref<50000xi32, #tpu.memory_space<hbm>>, %arg5: memref<100000x256xf32, #tpu.memory_space<hbm>>, %arg6: memref<80x256xf32, #tpu.memory_space<vmem>>, %arg7: memref<80x256xf32, #tpu.memory_space<vmem>>, %arg8: memref<80x256xf32, #tpu.memory_space<vmem>>, %arg9: memref<80x256xf32, #tpu.memory_space<vmem>>, %arg10: memref<80x256xf32, #tpu.memory_space<vmem>>, %arg11: memref<80x256xf32, #tpu.memory_space<vmem>>, %arg12: memref<1600xi32, #tpu.memory_space<vmem>>, %arg13: memref<1600xi32, #tpu.memory_space<vmem>>, %arg14: memref<!tpu.dma_semaphore, #tpu.memory_space<semaphore_mem>>, %arg15: memref<!tpu.dma_semaphore, #tpu.memory_space<semaphore_mem>>, %arg16: memref<!tpu.dma_semaphore, #tpu.memory_space<semaphore_mem>>, %arg17: memref<!tpu.dma_semaphore, #tpu.memory_space<semaphore_mem>>, %arg18: memref<!tpu.dma_semaphore, #tpu.memory_space<semaphore_mem>>, %arg19: memref<!tpu.dma_semaphore, #tpu.memory_space<semaphore_mem>>, %arg20: memref<!tpu.dma_semaphore, #tpu.memory_space<semaphore_mem>>, %arg21: memref<!tpu.dma_semaphore, #tpu.memory_space<semaphore_mem>>, %arg22: memref<!tpu.dma_semaphore, #tpu.memory_space<semaphore_mem>>, %arg23: memref<!tpu.dma_semaphore, #tpu.memory_space<semaphore_mem>>) attributes {dimension_semantics = [#tpu.dimension_semantics<core_parallel>, #tpu.dimension_semantics<subcore_parallel>], iteration_bounds = array<i64: 2, 16>, scalar_prefetch = 0 : i64, scratch_operands = 18 : i64, tpu.core_type = #tpu.core_type<sc_vector_subcore>, window_params = [{transform_indices = #map}, {transform_indices = #map1}, {transform_indices = #map1}, {transform_indices = #map}]} {
    %mul3A = arith.constant 2 : i32
    %mul3A_0 = arith.muli %arg1, %mul3A : i32
    %add3A = arith.addi %mul3A_0, %arg0 : i32
    %mul3A_1 = arith.constant 625 : i32
    %mul3A_2 = arith.muli %add3A, %mul3A_1 : i32
    %jit3A = arith.constant 32 : i32
    %div3A = arith.divsi %mul3A_2, %jit3A : i32
    %sign3A = arith.constant 0 : i32
    %sign3A_3 = arith.cmpi sgt, %mul3A_2, %sign3A : i32
    %sign3A_4 = arith.extui %sign3A_3 : i1 to i32
    %sign3A_5 = arith.constant 0 : i32
    %sign3A_6 = arith.cmpi slt, %mul3A_2, %sign3A_5 : i32
    %sign3A_7 = arith.extui %sign3A_6 : i1 to i32
    %sign3A_8 = arith.subi %sign3A_4, %sign3A_7 : i32
    %sign3A_9 = arith.constant 0 : i32
    %sign3A_10 = arith.cmpi sgt, %jit3A, %sign3A_9 : i32
    %sign3A_11 = arith.extui %sign3A_10 : i1 to i32
    %sign3A_12 = arith.constant 0 : i32
    %sign3A_13 = arith.cmpi slt, %jit3A, %sign3A_12 : i32
    %sign3A_14 = arith.extui %sign3A_13 : i1 to i32
    %sign3A_15 = arith.subi %sign3A_11, %sign3A_14 : i32
    %ne3A = arith.cmpi ne, %sign3A_8, %sign3A_15 : i32
    %rem3A = arith.remsi %mul3A_2, %jit3A : i32
    %ne3A_16 = arith.constant 0 : i32
    %ne3A_17 = arith.cmpi ne, %rem3A, %ne3A_16 : i32
    %and3A = arith.andi %ne3A, %ne3A_17 : i1
    %sub3A = arith.constant 1 : i32
    %sub3A_18 = arith.subi %div3A, %sub3A : i32
    %select_n3A = arith.select %and3A, %sub3A_18, %div3A : i32
    %add3A_19 = arith.constant 1 : i32
    %add3A_20 = arith.addi %add3A, %add3A_19 : i32
    %mul3A_21 = arith.constant 625 : i32
    %mul3A_22 = arith.muli %add3A_20, %mul3A_21 : i32
    %jit3A_23 = arith.constant 32 : i32
    %div3A_24 = arith.divsi %mul3A_22, %jit3A_23 : i32
    %sign3A_25 = arith.constant 0 : i32
    %sign3A_26 = arith.cmpi sgt, %mul3A_22, %sign3A_25 : i32
    %sign3A_27 = arith.extui %sign3A_26 : i1 to i32
    %sign3A_28 = arith.constant 0 : i32
    %sign3A_29 = arith.cmpi slt, %mul3A_22, %sign3A_28 : i32
    %sign3A_30 = arith.extui %sign3A_29 : i1 to i32
    %sign3A_31 = arith.subi %sign3A_27, %sign3A_30 : i32
    %sign3A_32 = arith.constant 0 : i32
    %sign3A_33 = arith.cmpi sgt, %jit3A_23, %sign3A_32 : i32
    %sign3A_34 = arith.extui %sign3A_33 : i1 to i32
    %sign3A_35 = arith.constant 0 : i32
    %sign3A_36 = arith.cmpi slt, %jit3A_23, %sign3A_35 : i32
    %sign3A_37 = arith.extui %sign3A_36 : i1 to i32
    %sign3A_38 = arith.subi %sign3A_34, %sign3A_37 : i32
    %ne3A_39 = arith.cmpi ne, %sign3A_31, %sign3A_38 : i32
    %rem3A_40 = arith.remsi %mul3A_22, %jit3A_23 : i32
    %ne3A_41 = arith.constant 0 : i32
    %ne3A_42 = arith.cmpi ne, %rem3A_40, %ne3A_41 : i32
    %and3A_43 = arith.andi %ne3A_39, %ne3A_42 : i1
    %sub3A_44 = arith.constant 1 : i32
    %sub3A_45 = arith.subi %div3A_24, %sub3A_44 : i32
    %select_n3A_46 = arith.select %and3A_43, %sub3A_45, %div3A_24 : i32
    %sub3A_47 = arith.subi %select_n3A_46, %select_n3A : i32
    %mul3A_48 = arith.constant 80 : i32
    %mul3A_49 = arith.muli %select_n3A, %mul3A_48 : i32
    "tpu.region"() ({
      %run_scoped3A = tpu.sem_alloc : memref<!tpu.dma_semaphore, #tpu.memory_space<semaphore_mem>>
      %dma_start3A = tpu.memref_slice %arg3[%mul3A_49] : memref<50000xi32, #tpu.memory_space<hbm>> -> memref<1600xi32, #tpu.memory_space<hbm>>
      %dma_start3A_64 = tpu.memref_slice %arg3[%mul3A_49] : memref<50000xi32, #tpu.memory_space<hbm>> -> memref<1600xi32, #tpu.memory_space<hbm>>
      tpu.enqueue_dma source(%dma_start3A_64 : memref<1600xi32, #tpu.memory_space<hbm>>) target(%arg12 : memref<1600xi32, #tpu.memory_space<vmem>>) target_semaphore(%run_scoped3A : memref<!tpu.dma_semaphore, #tpu.memory_space<semaphore_mem>>)
      %dma_wait3A = tpu.memref_slice %arg3[%mul3A_49] : memref<50000xi32, #tpu.memory_space<hbm>> -> memref<1600xi32, #tpu.memory_space<hbm>>
      %dma_wait3A_65 = tpu.memref_slice %arg3[%mul3A_49] : memref<50000xi32, #tpu.memory_space<hbm>> -> memref<1600xi32, #tpu.memory_space<hbm>>
      tpu.wait_dma2 semaphore(%run_scoped3A : memref<!tpu.dma_semaphore, #tpu.memory_space<semaphore_mem>>) src(%dma_wait3A_65 : memref<1600xi32, #tpu.memory_space<hbm>>) dst(%arg12 : memref<1600xi32, #tpu.memory_space<vmem>>)
      tpu.yield
    }) : () -> ()
    %mul3A_50 = arith.constant 80 : i32
    %mul3A_51 = arith.muli %select_n3A, %mul3A_50 : i32
    "tpu.region"() ({
      %run_scoped3A = tpu.sem_alloc : memref<!tpu.dma_semaphore, #tpu.memory_space<semaphore_mem>>
      %dma_start3A = tpu.memref_slice %arg4[%mul3A_51] : memref<50000xi32, #tpu.memory_space<hbm>> -> memref<1600xi32, #tpu.memory_space<hbm>>
      %dma_start3A_64 = tpu.memref_slice %arg4[%mul3A_51] : memref<50000xi32, #tpu.memory_space<hbm>> -> memref<1600xi32, #tpu.memory_space<hbm>>
      tpu.enqueue_dma source(%dma_start3A_64 : memref<1600xi32, #tpu.memory_space<hbm>>) target(%arg13 : memref<1600xi32, #tpu.memory_space<vmem>>) target_semaphore(%run_scoped3A : memref<!tpu.dma_semaphore, #tpu.memory_space<semaphore_mem>>)
      %dma_wait3A = tpu.memref_slice %arg4[%mul3A_51] : memref<50000xi32, #tpu.memory_space<hbm>> -> memref<1600xi32, #tpu.memory_space<hbm>>
      %dma_wait3A_65 = tpu.memref_slice %arg4[%mul3A_51] : memref<50000xi32, #tpu.memory_space<hbm>> -> memref<1600xi32, #tpu.memory_space<hbm>>
      tpu.wait_dma2 semaphore(%run_scoped3A : memref<!tpu.dma_semaphore, #tpu.memory_space<semaphore_mem>>) src(%dma_wait3A_65 : memref<1600xi32, #tpu.memory_space<hbm>>) dst(%arg13 : memref<1600xi32, #tpu.memory_space<vmem>>)
      tpu.yield
    }) : () -> ()
    %scan3A = arith.constant 0 : i32
    %scan3A_52 = arith.constant 0 : i32
    %scan3A_53 = arith.constant 10 : i32
    %scan3A_54 = arith.addi %scan3A_52, %scan3A_53 : i32
    %scan3A_55 = arith.constant 1 : i32
    scf.for %scan3A_64 = %scan3A_52 to %scan3A_54 step %scan3A_55  : i32 {
      %mul3A_65 = arith.constant 2 : i32
      %mul3A_66 = arith.muli %scan3A_64, %mul3A_65 : i32
      %add3A_67 = arith.constant 0 : i32
      %add3A_68 = arith.addi %mul3A_66, %add3A_67 : i32
      %add3A_69 = arith.addi %select_n3A, %add3A_68 : i32
      %gt3A_70 = arith.constant 0 : i32
      %gt3A_71 = arith.cmpi sgt, %scan3A_64, %gt3A_70 : i32
      %sub3A_72 = arith.constant 1 : i32
      %sub3A_73 = arith.subi %scan3A_64, %sub3A_72 : i32
      %mul3A_74 = arith.constant 2 : i32
      %mul3A_75 = arith.muli %sub3A_73, %mul3A_74 : i32
      %add3A_76 = arith.constant 0 : i32
      %add3A_77 = arith.addi %mul3A_75, %add3A_76 : i32
      %lt3A = arith.cmpi slt, %add3A_77, %sub3A_47 : i32
      %and3A_78 = arith.andi %gt3A_71, %lt3A : i1
      %convert_element_type3A_79 = arith.extui %and3A_78 : i1 to i32
      %cond3A_80 = arith.constant 0 : i32
      %cond3A_81 = arith.cmpi ne, %convert_element_type3A_79, %cond3A_80 : i32
      scf.if %cond3A_81 {
        %dma_wait3A = arith.constant 0 : i32
        %dma_wait3A_126 = arith.constant 0 : i32
        %dma_wait3A_127 = tpu.memref_slice %arg5[%dma_wait3A, %dma_wait3A_126] : memref<100000x256xf32, #tpu.memory_space<hbm>> -> memref<80x256xf32, #tpu.memory_space<hbm>>
        %dma_wait3A_128 = arith.constant 0 : i32
        %dma_wait3A_129 = arith.constant 0 : i32
        %dma_wait3A_130 = tpu.memref_slice %arg5[%dma_wait3A_128, %dma_wait3A_129] : memref<100000x256xf32, #tpu.memory_space<hbm>> -> memref<80x256xf32, #tpu.memory_space<hbm>>
        tpu.wait_dma2 semaphore(%arg18 : memref<!tpu.dma_semaphore, #tpu.memory_space<semaphore_mem>>) src(%arg6 : memref<80x256xf32, #tpu.memory_space<vmem>>) dst(%dma_wait3A_130 : memref<80x256xf32, #tpu.memory_space<hbm>>)
        %dma_wait3A_131 = arith.constant 0 : i32
        %dma_wait3A_132 = arith.constant 0 : i32
        %dma_wait3A_133 = tpu.memref_slice %arg5[%dma_wait3A_131, %dma_wait3A_132] : memref<100000x256xf32, #tpu.memory_space<hbm>> -> memref<80x256xf32, #tpu.memory_space<hbm>>
        %dma_wait3A_134 = arith.constant 0 : i32
        %dma_wait3A_135 = arith.constant 0 : i32
        %dma_wait3A_136 = tpu.memref_slice %arg5[%dma_wait3A_134, %dma_wait3A_135] : memref<100000x256xf32, #tpu.memory_space<hbm>> -> memref<80x256xf32, #tpu.memory_space<hbm>>
        tpu.wait_dma2 semaphore(%arg22 : memref<!tpu.dma_semaphore, #tpu.memory_space<semaphore_mem>>) src(%arg10 : memref<80x256xf32, #tpu.memory_space<vmem>>) dst(%dma_wait3A_136 : memref<80x256xf32, #tpu.memory_space<hbm>>)
      } else {
      }
      %lt3A_82 = arith.cmpi slt, %add3A_68, %sub3A_47 : i32
      %convert_element_type3A_83 = arith.extui %lt3A_82 : i1 to i32
      %cond3A_84 = arith.constant 0 : i32
      %cond3A_85 = arith.cmpi ne, %convert_element_type3A_83, %cond3A_84 : i32
      scf.if %cond3A_85 {
        %mul3A_126 = arith.constant 80 : i32
        %mul3A_127 = arith.muli %add3A_68, %mul3A_126 : i32
        %dma_start3A = tpu.memref_slice %arg12[%mul3A_127] : memref<1600xi32, #tpu.memory_space<vmem>> -> memref<80xi32, #tpu.memory_space<vmem>>
        %dma_start3A_128 = arith.constant 0 : i32
        %dma_start3A_129 = arith.constant 0 : i32
        %dma_start3A_130 = tpu.memref_slice %arg2[%dma_start3A_128, %dma_start3A_129] : memref<50000x256xf32, #tpu.memory_space<hbm>> -> memref<50000x256xf32, #tpu.memory_space<hbm>>
        tpu.enqueue_indirect_dma source(%dma_start3A_130 : memref<50000x256xf32, #tpu.memory_space<hbm>>) target(%arg6 : memref<80x256xf32, #tpu.memory_space<vmem>>) offsets(%dma_start3A : memref<80xi32, #tpu.memory_space<vmem>>) semaphore(%arg14 : memref<!tpu.dma_semaphore, #tpu.memory_space<semaphore_mem>>)
        %mul3A_131 = arith.constant 80 : i32
        %mul3A_132 = arith.muli %add3A_68, %mul3A_131 : i32
        %dma_start3A_133 = tpu.memref_slice %arg13[%mul3A_132] : memref<1600xi32, #tpu.memory_space<vmem>> -> memref<80xi32, #tpu.memory_space<vmem>>
        %dma_start3A_134 = arith.constant 0 : i32
        %dma_start3A_135 = arith.constant 0 : i32
        %dma_start3A_136 = tpu.memref_slice %arg2[%dma_start3A_134, %dma_start3A_135] : memref<50000x256xf32, #tpu.memory_space<hbm>> -> memref<50000x256xf32, #tpu.memory_space<hbm>>
        tpu.enqueue_indirect_dma source(%dma_start3A_136 : memref<50000x256xf32, #tpu.memory_space<hbm>>) target(%arg8 : memref<80x256xf32, #tpu.memory_space<vmem>>) offsets(%dma_start3A_133 : memref<80xi32, #tpu.memory_space<vmem>>) semaphore(%arg16 : memref<!tpu.dma_semaphore, #tpu.memory_space<semaphore_mem>>)
        %mul3A_137 = arith.constant 80 : i32
        %mul3A_138 = arith.muli %add3A_69, %mul3A_137 : i32
        %dma_start3A_139 = arith.constant 0 : i32
        %dma_start3A_140 = tpu.memref_slice %arg2[%mul3A_138, %dma_start3A_139] : memref<50000x256xf32, #tpu.memory_space<hbm>> -> memref<80x256xf32, #tpu.memory_space<hbm>>
        %dma_start3A_141 = arith.constant 0 : i32
        %dma_start3A_142 = tpu.memref_slice %arg2[%mul3A_138, %dma_start3A_141] : memref<50000x256xf32, #tpu.memory_space<hbm>> -> memref<80x256xf32, #tpu.memory_space<hbm>>
        tpu.enqueue_dma source(%dma_start3A_142 : memref<80x256xf32, #tpu.memory_space<hbm>>) target(%arg10 : memref<80x256xf32, #tpu.memory_space<vmem>>) target_semaphore(%arg20 : memref<!tpu.dma_semaphore, #tpu.memory_space<semaphore_mem>>)
      } else {
      }
      %mul3A_86 = arith.constant 2 : i32
      %mul3A_87 = arith.muli %scan3A_64, %mul3A_86 : i32
      %add3A_88 = arith.constant 1 : i32
      %add3A_89 = arith.addi %mul3A_87, %add3A_88 : i32
      %add3A_90 = arith.addi %select_n3A, %add3A_89 : i32
      %gt3A_91 = arith.constant 0 : i32
      %gt3A_92 = arith.cmpi sgt, %scan3A_64, %gt3A_91 : i32
      %sub3A_93 = arith.constant 1 : i32
      %sub3A_94 = arith.subi %scan3A_64, %sub3A_93 : i32
      %mul3A_95 = arith.constant 2 : i32
      %mul3A_96 = arith.muli %sub3A_94, %mul3A_95 : i32
      %add3A_97 = arith.constant 1 : i32
      %add3A_98 = arith.addi %mul3A_96, %add3A_97 : i32
      %lt3A_99 = arith.cmpi slt, %add3A_98, %sub3A_47 : i32
      %and3A_100 = arith.andi %gt3A_92, %lt3A_99 : i1
      %convert_element_type3A_101 = arith.extui %and3A_100 : i1 to i32
      %cond3A_102 = arith.constant 0 : i32
      %cond3A_103 = arith.cmpi ne, %convert_element_type3A_101, %cond3A_102 : i32
      scf.if %cond3A_103 {
        %dma_wait3A = arith.constant 0 : i32
        %dma_wait3A_126 = arith.constant 0 : i32
        %dma_wait3A_127 = tpu.memref_slice %arg5[%dma_wait3A, %dma_wait3A_126] : memref<100000x256xf32, #tpu.memory_space<hbm>> -> memref<80x256xf32, #tpu.memory_space<hbm>>
        %dma_wait3A_128 = arith.constant 0 : i32
        %dma_wait3A_129 = arith.constant 0 : i32
        %dma_wait3A_130 = tpu.memref_slice %arg5[%dma_wait3A_128, %dma_wait3A_129] : memref<100000x256xf32, #tpu.memory_space<hbm>> -> memref<80x256xf32, #tpu.memory_space<hbm>>
        tpu.wait_dma2 semaphore(%arg19 : memref<!tpu.dma_semaphore, #tpu.memory_space<semaphore_mem>>) src(%arg7 : memref<80x256xf32, #tpu.memory_space<vmem>>) dst(%dma_wait3A_130 : memref<80x256xf32, #tpu.memory_space<hbm>>)
        %dma_wait3A_131 = arith.constant 0 : i32
        %dma_wait3A_132 = arith.constant 0 : i32
        %dma_wait3A_133 = tpu.memref_slice %arg5[%dma_wait3A_131, %dma_wait3A_132] : memref<100000x256xf32, #tpu.memory_space<hbm>> -> memref<80x256xf32, #tpu.memory_space<hbm>>
        %dma_wait3A_134 = arith.constant 0 : i32
        %dma_wait3A_135 = arith.constant 0 : i32
        %dma_wait3A_136 = tpu.memref_slice %arg5[%dma_wait3A_134, %dma_wait3A_135] : memref<100000x256xf32, #tpu.memory_space<hbm>> -> memref<80x256xf32, #tpu.memory_space<hbm>>
        tpu.wait_dma2 semaphore(%arg23 : memref<!tpu.dma_semaphore, #tpu.memory_space<semaphore_mem>>) src(%arg11 : memref<80x256xf32, #tpu.memory_space<vmem>>) dst(%dma_wait3A_136 : memref<80x256xf32, #tpu.memory_space<hbm>>)
      } else {
      }
      %lt3A_104 = arith.cmpi slt, %add3A_89, %sub3A_47 : i32
      %convert_element_type3A_105 = arith.extui %lt3A_104 : i1 to i32
      %cond3A_106 = arith.constant 0 : i32
      %cond3A_107 = arith.cmpi ne, %convert_element_type3A_105, %cond3A_106 : i32
      scf.if %cond3A_107 {
        %mul3A_126 = arith.constant 80 : i32
        %mul3A_127 = arith.muli %add3A_89, %mul3A_126 : i32
        %dma_start3A = tpu.memref_slice %arg12[%mul3A_127] : memref<1600xi32, #tpu.memory_space<vmem>> -> memref<80xi32, #tpu.memory_space<vmem>>
        %dma_start3A_128 = arith.constant 0 : i32
        %dma_start3A_129 = arith.constant 0 : i32
        %dma_start3A_130 = tpu.memref_slice %arg2[%dma_start3A_128, %dma_start3A_129] : memref<50000x256xf32, #tpu.memory_space<hbm>> -> memref<50000x256xf32, #tpu.memory_space<hbm>>
        tpu.enqueue_indirect_dma source(%dma_start3A_130 : memref<50000x256xf32, #tpu.memory_space<hbm>>) target(%arg7 : memref<80x256xf32, #tpu.memory_space<vmem>>) offsets(%dma_start3A : memref<80xi32, #tpu.memory_space<vmem>>) semaphore(%arg15 : memref<!tpu.dma_semaphore, #tpu.memory_space<semaphore_mem>>)
        %mul3A_131 = arith.constant 80 : i32
        %mul3A_132 = arith.muli %add3A_89, %mul3A_131 : i32
        %dma_start3A_133 = tpu.memref_slice %arg13[%mul3A_132] : memref<1600xi32, #tpu.memory_space<vmem>> -> memref<80xi32, #tpu.memory_space<vmem>>
        %dma_start3A_134 = arith.constant 0 : i32
        %dma_start3A_135 = arith.constant 0 : i32
        %dma_start3A_136 = tpu.memref_slice %arg2[%dma_start3A_134, %dma_start3A_135] : memref<50000x256xf32, #tpu.memory_space<hbm>> -> memref<50000x256xf32, #tpu.memory_space<hbm>>
        tpu.enqueue_indirect_dma source(%dma_start3A_136 : memref<50000x256xf32, #tpu.memory_space<hbm>>) target(%arg9 : memref<80x256xf32, #tpu.memory_space<vmem>>) offsets(%dma_start3A_133 : memref<80xi32, #tpu.memory_space<vmem>>) semaphore(%arg17 : memref<!tpu.dma_semaphore, #tpu.memory_space<semaphore_mem>>)
        %mul3A_137 = arith.constant 80 : i32
        %mul3A_138 = arith.muli %add3A_90, %mul3A_137 : i32
        %dma_start3A_139 = arith.constant 0 : i32
        %dma_start3A_140 = tpu.memref_slice %arg2[%mul3A_138, %dma_start3A_139] : memref<50000x256xf32, #tpu.memory_space<hbm>> -> memref<80x256xf32, #tpu.memory_space<hbm>>
        %dma_start3A_141 = arith.constant 0 : i32
        %dma_start3A_142 = tpu.memref_slice %arg2[%mul3A_138, %dma_start3A_141] : memref<50000x256xf32, #tpu.memory_space<hbm>> -> memref<80x256xf32, #tpu.memory_space<hbm>>
        tpu.enqueue_dma source(%dma_start3A_142 : memref<80x256xf32, #tpu.memory_space<hbm>>) target(%arg11 : memref<80x256xf32, #tpu.memory_space<vmem>>) target_semaphore(%arg21 : memref<!tpu.dma_semaphore, #tpu.memory_space<semaphore_mem>>)
      } else {
      }
      %mul3A_108 = arith.constant 2 : i32
      %mul3A_109 = arith.muli %scan3A_64, %mul3A_108 : i32
      %add3A_110 = arith.constant 0 : i32
      %add3A_111 = arith.addi %mul3A_109, %add3A_110 : i32
      %add3A_112 = arith.addi %select_n3A, %add3A_111 : i32
      %lt3A_113 = arith.cmpi slt, %add3A_111, %sub3A_47 : i32
      %convert_element_type3A_114 = arith.extui %lt3A_113 : i1 to i32
      %cond3A_115 = arith.constant 0 : i32
      %cond3A_116 = arith.cmpi ne, %convert_element_type3A_114, %cond3A_115 : i32
      scf.if %cond3A_116 {
        %dma_wait3A = arith.constant 0 : i32
        %dma_wait3A_126 = arith.constant 0 : i32
        %dma_wait3A_127 = tpu.memref_slice %arg2[%dma_wait3A, %dma_wait3A_126] : memref<50000x256xf32, #tpu.memory_space<hbm>> -> memref<80x256xf32, #tpu.memory_space<hbm>>
        %dma_wait3A_128 = arith.constant 0 : i32
        %dma_wait3A_129 = arith.constant 0 : i32
        %dma_wait3A_130 = tpu.memref_slice %arg2[%dma_wait3A_128, %dma_wait3A_129] : memref<50000x256xf32, #tpu.memory_space<hbm>> -> memref<80x256xf32, #tpu.memory_space<hbm>>
        tpu.wait_dma2 semaphore(%arg20 : memref<!tpu.dma_semaphore, #tpu.memory_space<semaphore_mem>>) src(%dma_wait3A_130 : memref<80x256xf32, #tpu.memory_space<hbm>>) dst(%arg10 : memref<80x256xf32, #tpu.memory_space<vmem>>)
        %mul3A_131 = arith.constant 80 : i32
        %mul3A_132 = arith.muli %add3A_112, %mul3A_131 : i32
        %dma_start3A = arith.constant 0 : i32
        %dma_start3A_133 = tpu.memref_slice %arg5[%mul3A_132, %dma_start3A] : memref<100000x256xf32, #tpu.memory_space<hbm>> -> memref<80x256xf32, #tpu.memory_space<hbm>>
        %dma_start3A_134 = arith.constant 0 : i32
        %dma_start3A_135 = tpu.memref_slice %arg5[%mul3A_132, %dma_start3A_134] : memref<100000x256xf32, #tpu.memory_space<hbm>> -> memref<80x256xf32, #tpu.memory_space<hbm>>
        tpu.enqueue_dma source(%arg10 : memref<80x256xf32, #tpu.memory_space<vmem>>) target(%dma_start3A_135 : memref<80x256xf32, #tpu.memory_space<hbm>>) target_semaphore(%arg22 : memref<!tpu.dma_semaphore, #tpu.memory_space<semaphore_mem>>)
        %dma_wait3A_136 = arith.constant 0 : i32
        %dma_wait3A_137 = tpu.memref_slice %arg12[%dma_wait3A_136] : memref<1600xi32, #tpu.memory_space<vmem>> -> memref<80xi32, #tpu.memory_space<vmem>>
        %dma_wait3A_138 = arith.constant 0 : i32
        %dma_wait3A_139 = arith.constant 0 : i32
        %dma_wait3A_140 = tpu.memref_slice %arg2[%dma_wait3A_138, %dma_wait3A_139] : memref<50000x256xf32, #tpu.memory_space<hbm>> -> memref<50000x256xf32, #tpu.memory_space<hbm>>
        tpu.wait_indirect_dma semaphore(%arg14 : memref<!tpu.dma_semaphore, #tpu.memory_space<semaphore_mem>>) src(%dma_wait3A_140 : memref<50000x256xf32, #tpu.memory_space<hbm>>) dst(%arg6 : memref<80x256xf32, #tpu.memory_space<vmem>>)
        %dma_wait3A_141 = arith.constant 0 : i32
        %dma_wait3A_142 = tpu.memref_slice %arg13[%dma_wait3A_141] : memref<1600xi32, #tpu.memory_space<vmem>> -> memref<80xi32, #tpu.memory_space<vmem>>
        %dma_wait3A_143 = arith.constant 0 : i32
        %dma_wait3A_144 = arith.constant 0 : i32
        %dma_wait3A_145 = tpu.memref_slice %arg2[%dma_wait3A_143, %dma_wait3A_144] : memref<50000x256xf32, #tpu.memory_space<hbm>> -> memref<50000x256xf32, #tpu.memory_space<hbm>>
        tpu.wait_indirect_dma semaphore(%arg16 : memref<!tpu.dma_semaphore, #tpu.memory_space<semaphore_mem>>) src(%dma_wait3A_145 : memref<50000x256xf32, #tpu.memory_space<hbm>>) dst(%arg8 : memref<80x256xf32, #tpu.memory_space<vmem>>)
        %scan3A_146 = arith.constant 0 : i32
        %scan3A_147 = arith.constant 0 : i32
        %scan3A_148 = arith.constant 80 : i32
        %scan3A_149 = arith.addi %scan3A_147, %scan3A_148 : i32
        %scan3A_150 = arith.constant 1 : i32
        scf.for %scan3A_160 = %scan3A_147 to %scan3A_149 step %scan3A_150  : i32 {
          %get3A = arith.index_cast %scan3A_160 : i32 to index
          %get3A_161 = arith.constant 0 : index
          %get3A_162 = tpu.vector_load %arg6[%get3A, %get3A_161] {strides = array<i32>} : memref<80x256xf32, #tpu.memory_space<vmem>>, vector<1x16xf32>,
          %get3A_163 = vector.shape_cast %get3A_162 : vector<1x16xf32> to vector<16xf32>
          %get3A_164 = arith.index_cast %scan3A_160 : i32 to index
          %get3A_165 = arith.constant 0 : index
          %get3A_166 = tpu.vector_load %arg8[%get3A_164, %get3A_165] {strides = array<i32>} : memref<80x256xf32, #tpu.memory_space<vmem>>, vector<1x16xf32>,
          %get3A_167 = vector.shape_cast %get3A_166 : vector<1x16xf32> to vector<16xf32>
          %add3A_168 = arith.addf %get3A_163, %get3A_167 : vector<16xf32>
          %mul3A_169 = arith.constant 5.000000e-01 : f32
          %mul3A_170 = vector.broadcast %mul3A_169 : f32 to vector<16xf32>
          %mul3A_171 = arith.mulf %add3A_168, %mul3A_170 : vector<16xf32>
          %swap3A = arith.index_cast %scan3A_160 : i32 to index
          %swap3A_172 = arith.constant 0 : index
          %swap3A_173 = tpu.vector_load %arg6[%swap3A, %swap3A_172] {strides = array<i32>} : memref<80x256xf32, #tpu.memory_space<vmem>>, vector<1x16xf32>,
          %swap3A_174 = vector.shape_cast %swap3A_173 : vector<1x16xf32> to vector<16xf32>
          %swap3A_175 = vector.shape_cast %mul3A_171 : vector<16xf32> to vector<1x16xf32>
          tpu.vector_store %arg6[%swap3A, %swap3A_172], %swap3A_175 {strides = array<i32>} : memref<80x256xf32, #tpu.memory_space<vmem>>, vector<1x16xf32>,
          %get3A_176 = arith.index_cast %scan3A_160 : i32 to index
          %get3A_177 = arith.constant 16 : index
          %get3A_178 = tpu.vector_load %arg6[%get3A_176, %get3A_177] {strides = array<i32>} : memref<80x256xf32, #tpu.memory_space<vmem>>, vector<1x16xf32>,
          %get3A_179 = vector.shape_cast %get3A_178 : vector<1x16xf32> to vector<16xf32>
          %get3A_180 = arith.index_cast %scan3A_160 : i32 to index
          %get3A_181 = arith.constant 16 : index
          %get3A_182 = tpu.vector_load %arg8[%get3A_180, %get3A_181] {strides = array<i32>} : memref<80x256xf32, #tpu.memory_space<vmem>>, vector<1x16xf32>,
          %get3A_183 = vector.shape_cast %get3A_182 : vector<1x16xf32> to vector<16xf32>
          %add3A_184 = arith.addf %get3A_179, %get3A_183 : vector<16xf32>
          %mul3A_185 = arith.constant 5.000000e-01 : f32
          %mul3A_186 = vector.broadcast %mul3A_185 : f32 to vector<16xf32>
          %mul3A_187 = arith.mulf %add3A_184, %mul3A_186 : vector<16xf32>
          %swap3A_188 = arith.index_cast %scan3A_160 : i32 to index
          %swap3A_189 = arith.constant 16 : index
          %swap3A_190 = tpu.vector_load %arg6[%swap3A_188, %swap3A_189] {strides = array<i32>} : memref<80x256xf32, #tpu.memory_space<vmem>>, vector<1x16xf32>,
          %swap3A_191 = vector.shape_cast %swap3A_190 : vector<1x16xf32> to vector<16xf32>
          %swap3A_192 = vector.shape_cast %mul3A_187 : vector<16xf32> to vector<1x16xf32>
          tpu.vector_store %arg6[%swap3A_188, %swap3A_189], %swap3A_192 {strides = array<i32>} : memref<80x256xf32, #tpu.memory_space<vmem>>, vector<1x16xf32>,
          %get3A_193 = arith.index_cast %scan3A_160 : i32 to index
          %get3A_194 = arith.constant 32 : index
          %get3A_195 = tpu.vector_load %arg6[%get3A_193, %get3A_194] {strides = array<i32>} : memref<80x256xf32, #tpu.memory_space<vmem>>, vector<1x16xf32>,
          %get3A_196 = vector.shape_cast %get3A_195 : vector<1x16xf32> to vector<16xf32>
          %get3A_197 = arith.index_cast %scan3A_160 : i32 to index
          %get3A_198 = arith.constant 32 : index
          %get3A_199 = tpu.vector_load %arg8[%get3A_197, %get3A_198] {strides = array<i32>} : memref<80x256xf32, #tpu.memory_space<vmem>>, vector<1x16xf32>,
          %get3A_200 = vector.shape_cast %get3A_199 : vector<1x16xf32> to vector<16xf32>
          %add3A_201 = arith.addf %get3A_196, %get3A_200 : vector<16xf32>
          %mul3A_202 = arith.constant 5.000000e-01 : f32
          %mul3A_203 = vector.broadcast %mul3A_202 : f32 to vector<16xf32>
          %mul3A_204 = arith.mulf %add3A_201, %mul3A_203 : vector<16xf32>
          %swap3A_205 = arith.index_cast %scan3A_160 : i32 to index
          %swap3A_206 = arith.constant 32 : index
          %swap3A_207 = tpu.vector_load %arg6[%swap3A_205, %swap3A_206] {strides = array<i32>} : memref<80x256xf32, #tpu.memory_space<vmem>>, vector<1x16xf32>,
          %swap3A_208 = vector.shape_cast %swap3A_207 : vector<1x16xf32> to vector<16xf32>
          %swap3A_209 = vector.shape_cast %mul3A_204 : vector<16xf32> to vector<1x16xf32>
          tpu.vector_store %arg6[%swap3A_205, %swap3A_206], %swap3A_209 {strides = array<i32>} : memref<80x256xf32, #tpu.memory_space<vmem>>, vector<1x16xf32>,
          %get3A_210 = arith.index_cast %scan3A_160 : i32 to index
          %get3A_211 = arith.constant 48 : index
          %get3A_212 = tpu.vector_load %arg6[%get3A_210, %get3A_211] {strides = array<i32>} : memref<80x256xf32, #tpu.memory_space<vmem>>, vector<1x16xf32>,
          %get3A_213 = vector.shape_cast %get3A_212 : vector<1x16xf32> to vector<16xf32>
          %get3A_214 = arith.index_cast %scan3A_160 : i32 to index
          %get3A_215 = arith.constant 48 : index
          %get3A_216 = tpu.vector_load %arg8[%get3A_214, %get3A_215] {strides = array<i32>} : memref<80x256xf32, #tpu.memory_space<vmem>>, vector<1x16xf32>,
          %get3A_217 = vector.shape_cast %get3A_216 : vector<1x16xf32> to vector<16xf32>
          %add3A_218 = arith.addf %get3A_213, %get3A_217 : vector<16xf32>
          %mul3A_219 = arith.constant 5.000000e-01 : f32
          %mul3A_220 = vector.broadcast %mul3A_219 : f32 to vector<16xf32>
          %mul3A_221 = arith.mulf %add3A_218, %mul3A_220 : vector<16xf32>
          %swap3A_222 = arith.index_cast %scan3A_160 : i32 to index
          %swap3A_223 = arith.constant 48 : index
          %swap3A_224 = tpu.vector_load %arg6[%swap3A_222, %swap3A_223] {strides = array<i32>} : memref<80x256xf32, #tpu.memory_space<vmem>>, vector<1x16xf32>,
          %swap3A_225 = vector.shape_cast %swap3A_224 : vector<1x16xf32> to vector<16xf32>
          %swap3A_226 = vector.shape_cast %mul3A_221 : vector<16xf32> to vector<1x16xf32>
          tpu.vector_store %arg6[%swap3A_222, %swap3A_223], %swap3A_226 {strides = array<i32>} : memref<80x256xf32, #tpu.memory_space<vmem>>, vector<1x16xf32>,
          %get3A_227 = arith.index_cast %scan3A_160 : i32 to index
          %get3A_228 = arith.constant 64 : index
          %get3A_229 = tpu.vector_load %arg6[%get3A_227, %get3A_228] {strides = array<i32>} : memref<80x256xf32, #tpu.memory_space<vmem>>, vector<1x16xf32>,
          %get3A_230 = vector.shape_cast %get3A_229 : vector<1x16xf32> to vector<16xf32>
          %get3A_231 = arith.index_cast %scan3A_160 : i32 to index
          %get3A_232 = arith.constant 64 : index
          %get3A_233 = tpu.vector_load %arg8[%get3A_231, %get3A_232] {strides = array<i32>} : memref<80x256xf32, #tpu.memory_space<vmem>>, vector<1x16xf32>,
          %get3A_234 = vector.shape_cast %get3A_233 : vector<1x16xf32> to vector<16xf32>
          %add3A_235 = arith.addf %get3A_230, %get3A_234 : vector<16xf32>
          %mul3A_236 = arith.constant 5.000000e-01 : f32
          %mul3A_237 = vector.broadcast %mul3A_236 : f32 to vector<16xf32>
          %mul3A_238 = arith.mulf %add3A_235, %mul3A_237 : vector<16xf32>
          %swap3A_239 = arith.index_cast %scan3A_160 : i32 to index
          %swap3A_240 = arith.constant 64 : index
          %swap3A_241 = tpu.vector_load %arg6[%swap3A_239, %swap3A_240] {strides = array<i32>} : memref<80x256xf32, #tpu.memory_space<vmem>>, vector<1x16xf32>,
          %swap3A_242 = vector.shape_cast %swap3A_241 : vector<1x16xf32> to vector<16xf32>
          %swap3A_243 = vector.shape_cast %mul3A_238 : vector<16xf32> to vector<1x16xf32>
          tpu.vector_store %arg6[%swap3A_239, %swap3A_240], %swap3A_243 {strides = array<i32>} : memref<80x256xf32, #tpu.memory_space<vmem>>, vector<1x16xf32>,
          %get3A_244 = arith.index_cast %scan3A_160 : i32 to index
          %get3A_245 = arith.constant 80 : index
          %get3A_246 = tpu.vector_load %arg6[%get3A_244, %get3A_245] {strides = array<i32>} : memref<80x256xf32, #tpu.memory_space<vmem>>, vector<1x16xf32>,
          %get3A_247 = vector.shape_cast %get3A_246 : vector<1x16xf32> to vector<16xf32>
          %get3A_248 = arith.index_cast %scan3A_160 : i32 to index
          %get3A_249 = arith.constant 80 : index
          %get3A_250 = tpu.vector_load %arg8[%get3A_248, %get3A_249] {strides = array<i32>} : memref<80x256xf32, #tpu.memory_space<vmem>>, vector<1x16xf32>,
          %get3A_251 = vector.shape_cast %get3A_250 : vector<1x16xf32> to vector<16xf32>
          %add3A_252 = arith.addf %get3A_247, %get3A_251 : vector<16xf32>
          %mul3A_253 = arith.constant 5.000000e-01 : f32
          %mul3A_254 = vector.broadcast %mul3A_253 : f32 to vector<16xf32>
          %mul3A_255 = arith.mulf %add3A_252, %mul3A_254 : vector<16xf32>
          %swap3A_256 = arith.index_cast %scan3A_160 : i32 to index
          %swap3A_257 = arith.constant 80 : index
          %swap3A_258 = tpu.vector_load %arg6[%swap3A_256, %swap3A_257] {strides = array<i32>} : memref<80x256xf32, #tpu.memory_space<vmem>>, vector<1x16xf32>,
          %swap3A_259 = vector.shape_cast %swap3A_258 : vector<1x16xf32> to vector<16xf32>
          %swap3A_260 = vector.shape_cast %mul3A_255 : vector<16xf32> to vector<1x16xf32>
          tpu.vector_store %arg6[%swap3A_256, %swap3A_257], %swap3A_260 {strides = array<i32>} : memref<80x256xf32, #tpu.memory_space<vmem>>, vector<1x16xf32>,
          %get3A_261 = arith.index_cast %scan3A_160 : i32 to index
          %get3A_262 = arith.constant 96 : index
          %get3A_263 = tpu.vector_load %arg6[%get3A_261, %get3A_262] {strides = array<i32>} : memref<80x256xf32, #tpu.memory_space<vmem>>, vector<1x16xf32>,
          %get3A_264 = vector.shape_cast %get3A_263 : vector<1x16xf32> to vector<16xf32>
          %get3A_265 = arith.index_cast %scan3A_160 : i32 to index
          %get3A_266 = arith.constant 96 : index
          %get3A_267 = tpu.vector_load %arg8[%get3A_265, %get3A_266] {strides = array<i32>} : memref<80x256xf32, #tpu.memory_space<vmem>>, vector<1x16xf32>,
          %get3A_268 = vector.shape_cast %get3A_267 : vector<1x16xf32> to vector<16xf32>
          %add3A_269 = arith.addf %get3A_264, %get3A_268 : vector<16xf32>
          %mul3A_270 = arith.constant 5.000000e-01 : f32
          %mul3A_271 = vector.broadcast %mul3A_270 : f32 to vector<16xf32>
          %mul3A_272 = arith.mulf %add3A_269, %mul3A_271 : vector<16xf32>
          %swap3A_273 = arith.index_cast %scan3A_160 : i32 to index
          %swap3A_274 = arith.constant 96 : index
          %swap3A_275 = tpu.vector_load %arg6[%swap3A_273, %swap3A_274] {strides = array<i32>} : memref<80x256xf32, #tpu.memory_space<vmem>>, vector<1x16xf32>,
          %swap3A_276 = vector.shape_cast %swap3A_275 : vector<1x16xf32> to vector<16xf32>
          %swap3A_277 = vector.shape_cast %mul3A_272 : vector<16xf32> to vector<1x16xf32>
          tpu.vector_store %arg6[%swap3A_273, %swap3A_274], %swap3A_277 {strides = array<i32>} : memref<80x256xf32, #tpu.memory_space<vmem>>, vector<1x16xf32>,
          %get3A_278 = arith.index_cast %scan3A_160 : i32 to index
          %get3A_279 = arith.constant 112 : index
          %get3A_280 = tpu.vector_load %arg6[%get3A_278, %get3A_279] {strides = array<i32>} : memref<80x256xf32, #tpu.memory_space<vmem>>, vector<1x16xf32>,
          %get3A_281 = vector.shape_cast %get3A_280 : vector<1x16xf32> to vector<16xf32>
          %get3A_282 = arith.index_cast %scan3A_160 : i32 to index
          %get3A_283 = arith.constant 112 : index
          %get3A_284 = tpu.vector_load %arg8[%get3A_282, %get3A_283] {strides = array<i32>} : memref<80x256xf32, #tpu.memory_space<vmem>>, vector<1x16xf32>,
          %get3A_285 = vector.shape_cast %get3A_284 : vector<1x16xf32> to vector<16xf32>
          %add3A_286 = arith.addf %get3A_281, %get3A_285 : vector<16xf32>
          %mul3A_287 = arith.constant 5.000000e-01 : f32
          %mul3A_288 = vector.broadcast %mul3A_287 : f32 to vector<16xf32>
          %mul3A_289 = arith.mulf %add3A_286, %mul3A_288 : vector<16xf32>
          %swap3A_290 = arith.index_cast %scan3A_160 : i32 to index
          %swap3A_291 = arith.constant 112 : index
          %swap3A_292 = tpu.vector_load %arg6[%swap3A_290, %swap3A_291] {strides = array<i32>} : memref<80x256xf32, #tpu.memory_space<vmem>>, vector<1x16xf32>,
          %swap3A_293 = vector.shape_cast %swap3A_292 : vector<1x16xf32> to vector<16xf32>
          %swap3A_294 = vector.shape_cast %mul3A_289 : vector<16xf32> to vector<1x16xf32>
          tpu.vector_store %arg6[%swap3A_290, %swap3A_291], %swap3A_294 {strides = array<i32>} : memref<80x256xf32, #tpu.memory_space<vmem>>, vector<1x16xf32>,
          %get3A_295 = arith.index_cast %scan3A_160 : i32 to index
          %get3A_296 = arith.constant 128 : index
          %get3A_297 = tpu.vector_load %arg6[%get3A_295, %get3A_296] {strides = array<i32>} : memref<80x256xf32, #tpu.memory_space<vmem>>, vector<1x16xf32>,
          %get3A_298 = vector.shape_cast %get3A_297 : vector<1x16xf32> to vector<16xf32>
          %get3A_299 = arith.index_cast %scan3A_160 : i32 to index
          %get3A_300 = arith.constant 128 : index
          %get3A_301 = tpu.vector_load %arg8[%get3A_299, %get3A_300] {strides = array<i32>} : memref<80x256xf32, #tpu.memory_space<vmem>>, vector<1x16xf32>,
          %get3A_302 = vector.shape_cast %get3A_301 : vector<1x16xf32> to vector<16xf32>
          %add3A_303 = arith.addf %get3A_298, %get3A_302 : vector<16xf32>
          %mul3A_304 = arith.constant 5.000000e-01 : f32
          %mul3A_305 = vector.broadcast %mul3A_304 : f32 to vector<16xf32>
          %mul3A_306 = arith.mulf %add3A_303, %mul3A_305 : vector<16xf32>
          %swap3A_307 = arith.index_cast %scan3A_160 : i32 to index
          %swap3A_308 = arith.constant 128 : index
          %swap3A_309 = tpu.vector_load %arg6[%swap3A_307, %swap3A_308] {strides = array<i32>} : memref<80x256xf32, #tpu.memory_space<vmem>>, vector<1x16xf32>,
          %swap3A_310 = vector.shape_cast %swap3A_309 : vector<1x16xf32> to vector<16xf32>
          %swap3A_311 = vector.shape_cast %mul3A_306 : vector<16xf32> to vector<1x16xf32>
          tpu.vector_store %arg6[%swap3A_307, %swap3A_308], %swap3A_311 {strides = array<i32>} : memref<80x256xf32, #tpu.memory_space<vmem>>, vector<1x16xf32>,
          %get3A_312 = arith.index_cast %scan3A_160 : i32 to index
          %get3A_313 = arith.constant 144 : index
          %get3A_314 = tpu.vector_load %arg6[%get3A_312, %get3A_313] {strides = array<i32>} : memref<80x256xf32, #tpu.memory_space<vmem>>, vector<1x16xf32>,
          %get3A_315 = vector.shape_cast %get3A_314 : vector<1x16xf32> to vector<16xf32>
          %get3A_316 = arith.index_cast %scan3A_160 : i32 to index
          %get3A_317 = arith.constant 144 : index
          %get3A_318 = tpu.vector_load %arg8[%get3A_316, %get3A_317] {strides = array<i32>} : memref<80x256xf32, #tpu.memory_space<vmem>>, vector<1x16xf32>,
          %get3A_319 = vector.shape_cast %get3A_318 : vector<1x16xf32> to vector<16xf32>
          %add3A_320 = arith.addf %get3A_315, %get3A_319 : vector<16xf32>
          %mul3A_321 = arith.constant 5.000000e-01 : f32
          %mul3A_322 = vector.broadcast %mul3A_321 : f32 to vector<16xf32>
          %mul3A_323 = arith.mulf %add3A_320, %mul3A_322 : vector<16xf32>
          %swap3A_324 = arith.index_cast %scan3A_160 : i32 to index
          %swap3A_325 = arith.constant 144 : index
          %swap3A_326 = tpu.vector_load %arg6[%swap3A_324, %swap3A_325] {strides = array<i32>} : memref<80x256xf32, #tpu.memory_space<vmem>>, vector<1x16xf32>,
          %swap3A_327 = vector.shape_cast %swap3A_326 : vector<1x16xf32> to vector<16xf32>
          %swap3A_328 = vector.shape_cast %mul3A_323 : vector<16xf32> to vector<1x16xf32>
          tpu.vector_store %arg6[%swap3A_324, %swap3A_325], %swap3A_328 {strides = array<i32>} : memref<80x256xf32, #tpu.memory_space<vmem>>, vector<1x16xf32>,
          %get3A_329 = arith.index_cast %scan3A_160 : i32 to index
          %get3A_330 = arith.constant 160 : index
          %get3A_331 = tpu.vector_load %arg6[%get3A_329, %get3A_330] {strides = array<i32>} : memref<80x256xf32, #tpu.memory_space<vmem>>, vector<1x16xf32>,
          %get3A_332 = vector.shape_cast %get3A_331 : vector<1x16xf32> to vector<16xf32>
          %get3A_333 = arith.index_cast %scan3A_160 : i32 to index
          %get3A_334 = arith.constant 160 : index
          %get3A_335 = tpu.vector_load %arg8[%get3A_333, %get3A_334] {strides = array<i32>} : memref<80x256xf32, #tpu.memory_space<vmem>>, vector<1x16xf32>,
          %get3A_336 = vector.shape_cast %get3A_335 : vector<1x16xf32> to vector<16xf32>
          %add3A_337 = arith.addf %get3A_332, %get3A_336 : vector<16xf32>
          %mul3A_338 = arith.constant 5.000000e-01 : f32
          %mul3A_339 = vector.broadcast %mul3A_338 : f32 to vector<16xf32>
          %mul3A_340 = arith.mulf %add3A_337, %mul3A_339 : vector<16xf32>
          %swap3A_341 = arith.index_cast %scan3A_160 : i32 to index
          %swap3A_342 = arith.constant 160 : index
          %swap3A_343 = tpu.vector_load %arg6[%swap3A_341, %swap3A_342] {strides = array<i32>} : memref<80x256xf32, #tpu.memory_space<vmem>>, vector<1x16xf32>,
          %swap3A_344 = vector.shape_cast %swap3A_343 : vector<1x16xf32> to vector<16xf32>
          %swap3A_345 = vector.shape_cast %mul3A_340 : vector<16xf32> to vector<1x16xf32>
          tpu.vector_store %arg6[%swap3A_341, %swap3A_342], %swap3A_345 {strides = array<i32>} : memref<80x256xf32, #tpu.memory_space<vmem>>, vector<1x16xf32>,
          %get3A_346 = arith.index_cast %scan3A_160 : i32 to index
          %get3A_347 = arith.constant 176 : index
          %get3A_348 = tpu.vector_load %arg6[%get3A_346, %get3A_347] {strides = array<i32>} : memref<80x256xf32, #tpu.memory_space<vmem>>, vector<1x16xf32>,
          %get3A_349 = vector.shape_cast %get3A_348 : vector<1x16xf32> to vector<16xf32>
          %get3A_350 = arith.index_cast %scan3A_160 : i32 to index
          %get3A_351 = arith.constant 176 : index
          %get3A_352 = tpu.vector_load %arg8[%get3A_350, %get3A_351] {strides = array<i32>} : memref<80x256xf32, #tpu.memory_space<vmem>>, vector<1x16xf32>,
          %get3A_353 = vector.shape_cast %get3A_352 : vector<1x16xf32> to vector<16xf32>
          %add3A_354 = arith.addf %get3A_349, %get3A_353 : vector<16xf32>
          %mul3A_355 = arith.constant 5.000000e-01 : f32
          %mul3A_356 = vector.broadcast %mul3A_355 : f32 to vector<16xf32>
          %mul3A_357 = arith.mulf %add3A_354, %mul3A_356 : vector<16xf32>
          %swap3A_358 = arith.index_cast %scan3A_160 : i32 to index
          %swap3A_359 = arith.constant 176 : index
          %swap3A_360 = tpu.vector_load %arg6[%swap3A_358, %swap3A_359] {strides = array<i32>} : memref<80x256xf32, #tpu.memory_space<vmem>>, vector<1x16xf32>,
          %swap3A_361 = vector.shape_cast %swap3A_360 : vector<1x16xf32> to vector<16xf32>
          %swap3A_362 = vector.shape_cast %mul3A_357 : vector<16xf32> to vector<1x16xf32>
          tpu.vector_store %arg6[%swap3A_358, %swap3A_359], %swap3A_362 {strides = array<i32>} : memref<80x256xf32, #tpu.memory_space<vmem>>, vector<1x16xf32>,
          %get3A_363 = arith.index_cast %scan3A_160 : i32 to index
          %get3A_364 = arith.constant 192 : index
          %get3A_365 = tpu.vector_load %arg6[%get3A_363, %get3A_364] {strides = array<i32>} : memref<80x256xf32, #tpu.memory_space<vmem>>, vector<1x16xf32>,
          %get3A_366 = vector.shape_cast %get3A_365 : vector<1x16xf32> to vector<16xf32>
          %get3A_367 = arith.index_cast %scan3A_160 : i32 to index
          %get3A_368 = arith.constant 192 : index
          %get3A_369 = tpu.vector_load %arg8[%get3A_367, %get3A_368] {strides = array<i32>} : memref<80x256xf32, #tpu.memory_space<vmem>>, vector<1x16xf32>,
          %get3A_370 = vector.shape_cast %get3A_369 : vector<1x16xf32> to vector<16xf32>
          %add3A_371 = arith.addf %get3A_366, %get3A_370 : vector<16xf32>
          %mul3A_372 = arith.constant 5.000000e-01 : f32
          %mul3A_373 = vector.broadcast %mul3A_372 : f32 to vector<16xf32>
          %mul3A_374 = arith.mulf %add3A_371, %mul3A_373 : vector<16xf32>
          %swap3A_375 = arith.index_cast %scan3A_160 : i32 to index
          %swap3A_376 = arith.constant 192 : index
          %swap3A_377 = tpu.vector_load %arg6[%swap3A_375, %swap3A_376] {strides = array<i32>} : memref<80x256xf32, #tpu.memory_space<vmem>>, vector<1x16xf32>,
          %swap3A_378 = vector.shape_cast %swap3A_377 : vector<1x16xf32> to vector<16xf32>
          %swap3A_379 = vector.shape_cast %mul3A_374 : vector<16xf32> to vector<1x16xf32>
          tpu.vector_store %arg6[%swap3A_375, %swap3A_376], %swap3A_379 {strides = array<i32>} : memref<80x256xf32, #tpu.memory_space<vmem>>, vector<1x16xf32>,
          %get3A_380 = arith.index_cast %scan3A_160 : i32 to index
          %get3A_381 = arith.constant 208 : index
          %get3A_382 = tpu.vector_load %arg6[%get3A_380, %get3A_381] {strides = array<i32>} : memref<80x256xf32, #tpu.memory_space<vmem>>, vector<1x16xf32>,
          %get3A_383 = vector.shape_cast %get3A_382 : vector<1x16xf32> to vector<16xf32>
          %get3A_384 = arith.index_cast %scan3A_160 : i32 to index
          %get3A_385 = arith.constant 208 : index
          %get3A_386 = tpu.vector_load %arg8[%get3A_384, %get3A_385] {strides = array<i32>} : memref<80x256xf32, #tpu.memory_space<vmem>>, vector<1x16xf32>,
          %get3A_387 = vector.shape_cast %get3A_386 : vector<1x16xf32> to vector<16xf32>
          %add3A_388 = arith.addf %get3A_383, %get3A_387 : vector<16xf32>
          %mul3A_389 = arith.constant 5.000000e-01 : f32
          %mul3A_390 = vector.broadcast %mul3A_389 : f32 to vector<16xf32>
          %mul3A_391 = arith.mulf %add3A_388, %mul3A_390 : vector<16xf32>
          %swap3A_392 = arith.index_cast %scan3A_160 : i32 to index
          %swap3A_393 = arith.constant 208 : index
          %swap3A_394 = tpu.vector_load %arg6[%swap3A_392, %swap3A_393] {strides = array<i32>} : memref<80x256xf32, #tpu.memory_space<vmem>>, vector<1x16xf32>,
          %swap3A_395 = vector.shape_cast %swap3A_394 : vector<1x16xf32> to vector<16xf32>
          %swap3A_396 = vector.shape_cast %mul3A_391 : vector<16xf32> to vector<1x16xf32>
          tpu.vector_store %arg6[%swap3A_392, %swap3A_393], %swap3A_396 {strides = array<i32>} : memref<80x256xf32, #tpu.memory_space<vmem>>, vector<1x16xf32>,
          %get3A_397 = arith.index_cast %scan3A_160 : i32 to index
          %get3A_398 = arith.constant 224 : index
          %get3A_399 = tpu.vector_load %arg6[%get3A_397, %get3A_398] {strides = array<i32>} : memref<80x256xf32, #tpu.memory_space<vmem>>, vector<1x16xf32>,
          %get3A_400 = vector.shape_cast %get3A_399 : vector<1x16xf32> to vector<16xf32>
          %get3A_401 = arith.index_cast %scan3A_160 : i32 to index
          %get3A_402 = arith.constant 224 : index
          %get3A_403 = tpu.vector_load %arg8[%get3A_401, %get3A_402] {strides = array<i32>} : memref<80x256xf32, #tpu.memory_space<vmem>>, vector<1x16xf32>,
          %get3A_404 = vector.shape_cast %get3A_403 : vector<1x16xf32> to vector<16xf32>
          %add3A_405 = arith.addf %get3A_400, %get3A_404 : vector<16xf32>
          %mul3A_406 = arith.constant 5.000000e-01 : f32
          %mul3A_407 = vector.broadcast %mul3A_406 : f32 to vector<16xf32>
          %mul3A_408 = arith.mulf %add3A_405, %mul3A_407 : vector<16xf32>
          %swap3A_409 = arith.index_cast %scan3A_160 : i32 to index
          %swap3A_410 = arith.constant 224 : index
          %swap3A_411 = tpu.vector_load %arg6[%swap3A_409, %swap3A_410] {strides = array<i32>} : memref<80x256xf32, #tpu.memory_space<vmem>>, vector<1x16xf32>,
          %swap3A_412 = vector.shape_cast %swap3A_411 : vector<1x16xf32> to vector<16xf32>
          %swap3A_413 = vector.shape_cast %mul3A_408 : vector<16xf32> to vector<1x16xf32>
          tpu.vector_store %arg6[%swap3A_409, %swap3A_410], %swap3A_413 {strides = array<i32>} : memref<80x256xf32, #tpu.memory_space<vmem>>, vector<1x16xf32>,
          %get3A_414 = arith.index_cast %scan3A_160 : i32 to index
          %get3A_415 = arith.constant 240 : index
          %get3A_416 = tpu.vector_load %arg6[%get3A_414, %get3A_415] {strides = array<i32>} : memref<80x256xf32, #tpu.memory_space<vmem>>, vector<1x16xf32>,
          %get3A_417 = vector.shape_cast %get3A_416 : vector<1x16xf32> to vector<16xf32>
          %get3A_418 = arith.index_cast %scan3A_160 : i32 to index
          %get3A_419 = arith.constant 240 : index
          %get3A_420 = tpu.vector_load %arg8[%get3A_418, %get3A_419] {strides = array<i32>} : memref<80x256xf32, #tpu.memory_space<vmem>>, vector<1x16xf32>,
          %get3A_421 = vector.shape_cast %get3A_420 : vector<1x16xf32> to vector<16xf32>
          %add3A_422 = arith.addf %get3A_417, %get3A_421 : vector<16xf32>
          %mul3A_423 = arith.constant 5.000000e-01 : f32
          %mul3A_424 = vector.broadcast %mul3A_423 : f32 to vector<16xf32>
          %mul3A_425 = arith.mulf %add3A_422, %mul3A_424 : vector<16xf32>
          %swap3A_426 = arith.index_cast %scan3A_160 : i32 to index
          %swap3A_427 = arith.constant 240 : index
          %swap3A_428 = tpu.vector_load %arg6[%swap3A_426, %swap3A_427] {strides = array<i32>} : memref<80x256xf32, #tpu.memory_space<vmem>>, vector<1x16xf32>,
          %swap3A_429 = vector.shape_cast %swap3A_428 : vector<1x16xf32> to vector<16xf32>
          %swap3A_430 = vector.shape_cast %mul3A_425 : vector<16xf32> to vector<1x16xf32>
          tpu.vector_store %arg6[%swap3A_426, %swap3A_427], %swap3A_430 {strides = array<i32>} : memref<80x256xf32, #tpu.memory_space<vmem>>, vector<1x16xf32>,
        }
        %scan3A_151 = arith.constant 80 : i32
        %mul3A_152 = arith.constant 80 : i32
        %mul3A_153 = arith.muli %add3A_112, %mul3A_152 : i32
        %add3A_154 = arith.constant 50000 : i32
        %add3A_155 = arith.addi %add3A_154, %mul3A_153 : i32
        %dma_start3A_156 = arith.constant 0 : i32
        %dma_start3A_157 = tpu.memref_slice %arg5[%add3A_155, %dma_start3A_156] : memref<100000x256xf32, #tpu.memory_space<hbm>> -> memref<80x256xf32, #tpu.memory_space<hbm>>
        %dma_start3A_158 = arith.constant 0 : i32
        %dma_start3A_159 = tpu.memref_slice %arg5[%add3A_155, %dma_start3A_158] : memref<100000x256xf32, #tpu.memory_space<hbm>> -> memref<80x256xf32, #tpu.memory_space<hbm>>
        tpu.enqueue_dma source(%arg6 : memref<80x256xf32, #tpu.memory_space<vmem>>) target(%dma_start3A_159 : memref<80x256xf32, #tpu.memory_space<hbm>>) target_semaphore(%arg18 : memref<!tpu.dma_semaphore, #tpu.memory_space<semaphore_mem>>)
      } else {
      }
      %mul3A_117 = arith.constant 2 : i32
      %mul3A_118 = arith.muli %scan3A_64, %mul3A_117 : i32
      %add3A_119 = arith.constant 1 : i32
      %add3A_120 = arith.addi %mul3A_118, %add3A_119 : i32
      %add3A_121 = arith.addi %select_n3A, %add3A_120 : i32
      %lt3A_122 = arith.cmpi slt, %add3A_120, %sub3A_47 : i32
      %convert_element_type3A_123 = arith.extui %lt3A_122 : i1 to i32
      %cond3A_124 = arith.constant 0 : i32
      %cond3A_125 = arith.cmpi ne, %convert_element_type3A_123, %cond3A_124 : i32
      scf.if %cond3A_125 {
        %dma_wait3A = arith.constant 0 : i32
        %dma_wait3A_126 = arith.constant 0 : i32
        %dma_wait3A_127 = tpu.memref_slice %arg2[%dma_wait3A, %dma_wait3A_126] : memref<50000x256xf32, #tpu.memory_space<hbm>> -> memref<80x256xf32, #tpu.memory_space<hbm>>
        %dma_wait3A_128 = arith.constant 0 : i32
        %dma_wait3A_129 = arith.constant 0 : i32
        %dma_wait3A_130 = tpu.memref_slice %arg2[%dma_wait3A_128, %dma_wait3A_129] : memref<50000x256xf32, #tpu.memory_space<hbm>> -> memref<80x256xf32, #tpu.memory_space<hbm>>
        tpu.wait_dma2 semaphore(%arg21 : memref<!tpu.dma_semaphore, #tpu.memory_space<semaphore_mem>>) src(%dma_wait3A_130 : memref<80x256xf32, #tpu.memory_space<hbm>>) dst(%arg11 : memref<80x256xf32, #tpu.memory_space<vmem>>)
        %mul3A_131 = arith.constant 80 : i32
        %mul3A_132 = arith.muli %add3A_121, %mul3A_131 : i32
        %dma_start3A = arith.constant 0 : i32
        %dma_start3A_133 = tpu.memref_slice %arg5[%mul3A_132, %dma_start3A] : memref<100000x256xf32, #tpu.memory_space<hbm>> -> memref<80x256xf32, #tpu.memory_space<hbm>>
        %dma_start3A_134 = arith.constant 0 : i32
        %dma_start3A_135 = tpu.memref_slice %arg5[%mul3A_132, %dma_start3A_134] : memref<100000x256xf32, #tpu.memory_space<hbm>> -> memref<80x256xf32, #tpu.memory_space<hbm>>
        tpu.enqueue_dma source(%arg11 : memref<80x256xf32, #tpu.memory_space<vmem>>) target(%dma_start3A_135 : memref<80x256xf32, #tpu.memory_space<hbm>>) target_semaphore(%arg23 : memref<!tpu.dma_semaphore, #tpu.memory_space<semaphore_mem>>)
        %dma_wait3A_136 = arith.constant 0 : i32
        %dma_wait3A_137 = tpu.memref_slice %arg12[%dma_wait3A_136] : memref<1600xi32, #tpu.memory_space<vmem>> -> memref<80xi32, #tpu.memory_space<vmem>>
        %dma_wait3A_138 = arith.constant 0 : i32
        %dma_wait3A_139 = arith.constant 0 : i32
        %dma_wait3A_140 = tpu.memref_slice %arg2[%dma_wait3A_138, %dma_wait3A_139] : memref<50000x256xf32, #tpu.memory_space<hbm>> -> memref<50000x256xf32, #tpu.memory_space<hbm>>
        tpu.wait_indirect_dma semaphore(%arg15 : memref<!tpu.dma_semaphore, #tpu.memory_space<semaphore_mem>>) src(%dma_wait3A_140 : memref<50000x256xf32, #tpu.memory_space<hbm>>) dst(%arg7 : memref<80x256xf32, #tpu.memory_space<vmem>>)
        %dma_wait3A_141 = arith.constant 0 : i32
        %dma_wait3A_142 = tpu.memref_slice %arg13[%dma_wait3A_141] : memref<1600xi32, #tpu.memory_space<vmem>> -> memref<80xi32, #tpu.memory_space<vmem>>
        %dma_wait3A_143 = arith.constant 0 : i32
        %dma_wait3A_144 = arith.constant 0 : i32
        %dma_wait3A_145 = tpu.memref_slice %arg2[%dma_wait3A_143, %dma_wait3A_144] : memref<50000x256xf32, #tpu.memory_space<hbm>> -> memref<50000x256xf32, #tpu.memory_space<hbm>>
        tpu.wait_indirect_dma semaphore(%arg17 : memref<!tpu.dma_semaphore, #tpu.memory_space<semaphore_mem>>) src(%dma_wait3A_145 : memref<50000x256xf32, #tpu.memory_space<hbm>>) dst(%arg9 : memref<80x256xf32, #tpu.memory_space<vmem>>)
        %scan3A_146 = arith.constant 0 : i32
        %scan3A_147 = arith.constant 0 : i32
        %scan3A_148 = arith.constant 80 : i32
        %scan3A_149 = arith.addi %scan3A_147, %scan3A_148 : i32
        %scan3A_150 = arith.constant 1 : i32
        scf.for %scan3A_160 = %scan3A_147 to %scan3A_149 step %scan3A_150  : i32 {
          %get3A = arith.index_cast %scan3A_160 : i32 to index
          %get3A_161 = arith.constant 0 : index
          %get3A_162 = tpu.vector_load %arg7[%get3A, %get3A_161] {strides = array<i32>} : memref<80x256xf32, #tpu.memory_space<vmem>>, vector<1x16xf32>,
          %get3A_163 = vector.shape_cast %get3A_162 : vector<1x16xf32> to vector<16xf32>
          %get3A_164 = arith.index_cast %scan3A_160 : i32 to index
          %get3A_165 = arith.constant 0 : index
          %get3A_166 = tpu.vector_load %arg9[%get3A_164, %get3A_165] {strides = array<i32>} : memref<80x256xf32, #tpu.memory_space<vmem>>, vector<1x16xf32>,
          %get3A_167 = vector.shape_cast %get3A_166 : vector<1x16xf32> to vector<16xf32>
          %add3A_168 = arith.addf %get3A_163, %get3A_167 : vector<16xf32>
          %mul3A_169 = arith.constant 5.000000e-01 : f32
          %mul3A_170 = vector.broadcast %mul3A_169 : f32 to vector<16xf32>
          %mul3A_171 = arith.mulf %add3A_168, %mul3A_170 : vector<16xf32>
          %swap3A = arith.index_cast %scan3A_160 : i32 to index
          %swap3A_172 = arith.constant 0 : index
          %swap3A_173 = tpu.vector_load %arg7[%swap3A, %swap3A_172] {strides = array<i32>} : memref<80x256xf32, #tpu.memory_space<vmem>>, vector<1x16xf32>,
          %swap3A_174 = vector.shape_cast %swap3A_173 : vector<1x16xf32> to vector<16xf32>
          %swap3A_175 = vector.shape_cast %mul3A_171 : vector<16xf32> to vector<1x16xf32>
          tpu.vector_store %arg7[%swap3A, %swap3A_172], %swap3A_175 {strides = array<i32>} : memref<80x256xf32, #tpu.memory_space<vmem>>, vector<1x16xf32>,
          %get3A_176 = arith.index_cast %scan3A_160 : i32 to index
          %get3A_177 = arith.constant 16 : index
          %get3A_178 = tpu.vector_load %arg7[%get3A_176, %get3A_177] {strides = array<i32>} : memref<80x256xf32, #tpu.memory_space<vmem>>, vector<1x16xf32>,
          %get3A_179 = vector.shape_cast %get3A_178 : vector<1x16xf32> to vector<16xf32>
          %get3A_180 = arith.index_cast %scan3A_160 : i32 to index
          %get3A_181 = arith.constant 16 : index
          %get3A_182 = tpu.vector_load %arg9[%get3A_180, %get3A_181] {strides = array<i32>} : memref<80x256xf32, #tpu.memory_space<vmem>>, vector<1x16xf32>,
          %get3A_183 = vector.shape_cast %get3A_182 : vector<1x16xf32> to vector<16xf32>
          %add3A_184 = arith.addf %get3A_179, %get3A_183 : vector<16xf32>
          %mul3A_185 = arith.constant 5.000000e-01 : f32
          %mul3A_186 = vector.broadcast %mul3A_185 : f32 to vector<16xf32>
          %mul3A_187 = arith.mulf %add3A_184, %mul3A_186 : vector<16xf32>
          %swap3A_188 = arith.index_cast %scan3A_160 : i32 to index
          %swap3A_189 = arith.constant 16 : index
          %swap3A_190 = tpu.vector_load %arg7[%swap3A_188, %swap3A_189] {strides = array<i32>} : memref<80x256xf32, #tpu.memory_space<vmem>>, vector<1x16xf32>,
          %swap3A_191 = vector.shape_cast %swap3A_190 : vector<1x16xf32> to vector<16xf32>
          %swap3A_192 = vector.shape_cast %mul3A_187 : vector<16xf32> to vector<1x16xf32>
          tpu.vector_store %arg7[%swap3A_188, %swap3A_189], %swap3A_192 {strides = array<i32>} : memref<80x256xf32, #tpu.memory_space<vmem>>, vector<1x16xf32>,
          %get3A_193 = arith.index_cast %scan3A_160 : i32 to index
          %get3A_194 = arith.constant 32 : index
          %get3A_195 = tpu.vector_load %arg7[%get3A_193, %get3A_194] {strides = array<i32>} : memref<80x256xf32, #tpu.memory_space<vmem>>, vector<1x16xf32>,
          %get3A_196 = vector.shape_cast %get3A_195 : vector<1x16xf32> to vector<16xf32>
          %get3A_197 = arith.index_cast %scan3A_160 : i32 to index
          %get3A_198 = arith.constant 32 : index
          %get3A_199 = tpu.vector_load %arg9[%get3A_197, %get3A_198] {strides = array<i32>} : memref<80x256xf32, #tpu.memory_space<vmem>>, vector<1x16xf32>,
          %get3A_200 = vector.shape_cast %get3A_199 : vector<1x16xf32> to vector<16xf32>
          %add3A_201 = arith.addf %get3A_196, %get3A_200 : vector<16xf32>
          %mul3A_202 = arith.constant 5.000000e-01 : f32
          %mul3A_203 = vector.broadcast %mul3A_202 : f32 to vector<16xf32>
          %mul3A_204 = arith.mulf %add3A_201, %mul3A_203 : vector<16xf32>
          %swap3A_205 = arith.index_cast %scan3A_160 : i32 to index
          %swap3A_206 = arith.constant 32 : index
          %swap3A_207 = tpu.vector_load %arg7[%swap3A_205, %swap3A_206] {strides = array<i32>} : memref<80x256xf32, #tpu.memory_space<vmem>>, vector<1x16xf32>,
          %swap3A_208 = vector.shape_cast %swap3A_207 : vector<1x16xf32> to vector<16xf32>
          %swap3A_209 = vector.shape_cast %mul3A_204 : vector<16xf32> to vector<1x16xf32>
          tpu.vector_store %arg7[%swap3A_205, %swap3A_206], %swap3A_209 {strides = array<i32>} : memref<80x256xf32, #tpu.memory_space<vmem>>, vector<1x16xf32>,
          %get3A_210 = arith.index_cast %scan3A_160 : i32 to index
          %get3A_211 = arith.constant 48 : index
          %get3A_212 = tpu.vector_load %arg7[%get3A_210, %get3A_211] {strides = array<i32>} : memref<80x256xf32, #tpu.memory_space<vmem>>, vector<1x16xf32>,
          %get3A_213 = vector.shape_cast %get3A_212 : vector<1x16xf32> to vector<16xf32>
          %get3A_214 = arith.index_cast %scan3A_160 : i32 to index
          %get3A_215 = arith.constant 48 : index
          %get3A_216 = tpu.vector_load %arg9[%get3A_214, %get3A_215] {strides = array<i32>} : memref<80x256xf32, #tpu.memory_space<vmem>>, vector<1x16xf32>,
          %get3A_217 = vector.shape_cast %get3A_216 : vector<1x16xf32> to vector<16xf32>
          %add3A_218 = arith.addf %get3A_213, %get3A_217 : vector<16xf32>
          %mul3A_219 = arith.constant 5.000000e-01 : f32
          %mul3A_220 = vector.broadcast %mul3A_219 : f32 to vector<16xf32>
          %mul3A_221 = arith.mulf %add3A_218, %mul3A_220 : vector<16xf32>
          %swap3A_222 = arith.index_cast %scan3A_160 : i32 to index
          %swap3A_223 = arith.constant 48 : index
          %swap3A_224 = tpu.vector_load %arg7[%swap3A_222, %swap3A_223] {strides = array<i32>} : memref<80x256xf32, #tpu.memory_space<vmem>>, vector<1x16xf32>,
          %swap3A_225 = vector.shape_cast %swap3A_224 : vector<1x16xf32> to vector<16xf32>
          %swap3A_226 = vector.shape_cast %mul3A_221 : vector<16xf32> to vector<1x16xf32>
          tpu.vector_store %arg7[%swap3A_222, %swap3A_223], %swap3A_226 {strides = array<i32>} : memref<80x256xf32, #tpu.memory_space<vmem>>, vector<1x16xf32>,
          %get3A_227 = arith.index_cast %scan3A_160 : i32 to index
          %get3A_228 = arith.constant 64 : index
          %get3A_229 = tpu.vector_load %arg7[%get3A_227, %get3A_228] {strides = array<i32>} : memref<80x256xf32, #tpu.memory_space<vmem>>, vector<1x16xf32>,
          %get3A_230 = vector.shape_cast %get3A_229 : vector<1x16xf32> to vector<16xf32>
          %get3A_231 = arith.index_cast %scan3A_160 : i32 to index
          %get3A_232 = arith.constant 64 : index
          %get3A_233 = tpu.vector_load %arg9[%get3A_231, %get3A_232] {strides = array<i32>} : memref<80x256xf32, #tpu.memory_space<vmem>>, vector<1x16xf32>,
          %get3A_234 = vector.shape_cast %get3A_233 : vector<1x16xf32> to vector<16xf32>
          %add3A_235 = arith.addf %get3A_230, %get3A_234 : vector<16xf32>
          %mul3A_236 = arith.constant 5.000000e-01 : f32
          %mul3A_237 = vector.broadcast %mul3A_236 : f32 to vector<16xf32>
          %mul3A_238 = arith.mulf %add3A_235, %mul3A_237 : vector<16xf32>
          %swap3A_239 = arith.index_cast %scan3A_160 : i32 to index
          %swap3A_240 = arith.constant 64 : index
          %swap3A_241 = tpu.vector_load %arg7[%swap3A_239, %swap3A_240] {strides = array<i32>} : memref<80x256xf32, #tpu.memory_space<vmem>>, vector<1x16xf32>,
          %swap3A_242 = vector.shape_cast %swap3A_241 : vector<1x16xf32> to vector<16xf32>
          %swap3A_243 = vector.shape_cast %mul3A_238 : vector<16xf32> to vector<1x16xf32>
          tpu.vector_store %arg7[%swap3A_239, %swap3A_240], %swap3A_243 {strides = array<i32>} : memref<80x256xf32, #tpu.memory_space<vmem>>, vector<1x16xf32>,
          %get3A_244 = arith.index_cast %scan3A_160 : i32 to index
          %get3A_245 = arith.constant 80 : index
          %get3A_246 = tpu.vector_load %arg7[%get3A_244, %get3A_245] {strides = array<i32>} : memref<80x256xf32, #tpu.memory_space<vmem>>, vector<1x16xf32>,
          %get3A_247 = vector.shape_cast %get3A_246 : vector<1x16xf32> to vector<16xf32>
          %get3A_248 = arith.index_cast %scan3A_160 : i32 to index
          %get3A_249 = arith.constant 80 : index
          %get3A_250 = tpu.vector_load %arg9[%get3A_248, %get3A_249] {strides = array<i32>} : memref<80x256xf32, #tpu.memory_space<vmem>>, vector<1x16xf32>,
          %get3A_251 = vector.shape_cast %get3A_250 : vector<1x16xf32> to vector<16xf32>
          %add3A_252 = arith.addf %get3A_247, %get3A_251 : vector<16xf32>
          %mul3A_253 = arith.constant 5.000000e-01 : f32
          %mul3A_254 = vector.broadcast %mul3A_253 : f32 to vector<16xf32>
          %mul3A_255 = arith.mulf %add3A_252, %mul3A_254 : vector<16xf32>
          %swap3A_256 = arith.index_cast %scan3A_160 : i32 to index
          %swap3A_257 = arith.constant 80 : index
          %swap3A_258 = tpu.vector_load %arg7[%swap3A_256, %swap3A_257] {strides = array<i32>} : memref<80x256xf32, #tpu.memory_space<vmem>>, vector<1x16xf32>,
          %swap3A_259 = vector.shape_cast %swap3A_258 : vector<1x16xf32> to vector<16xf32>
          %swap3A_260 = vector.shape_cast %mul3A_255 : vector<16xf32> to vector<1x16xf32>
          tpu.vector_store %arg7[%swap3A_256, %swap3A_257], %swap3A_260 {strides = array<i32>} : memref<80x256xf32, #tpu.memory_space<vmem>>, vector<1x16xf32>,
          %get3A_261 = arith.index_cast %scan3A_160 : i32 to index
          %get3A_262 = arith.constant 96 : index
          %get3A_263 = tpu.vector_load %arg7[%get3A_261, %get3A_262] {strides = array<i32>} : memref<80x256xf32, #tpu.memory_space<vmem>>, vector<1x16xf32>,
          %get3A_264 = vector.shape_cast %get3A_263 : vector<1x16xf32> to vector<16xf32>
          %get3A_265 = arith.index_cast %scan3A_160 : i32 to index
          %get3A_266 = arith.constant 96 : index
          %get3A_267 = tpu.vector_load %arg9[%get3A_265, %get3A_266] {strides = array<i32>} : memref<80x256xf32, #tpu.memory_space<vmem>>, vector<1x16xf32>,
          %get3A_268 = vector.shape_cast %get3A_267 : vector<1x16xf32> to vector<16xf32>
          %add3A_269 = arith.addf %get3A_264, %get3A_268 : vector<16xf32>
          %mul3A_270 = arith.constant 5.000000e-01 : f32
          %mul3A_271 = vector.broadcast %mul3A_270 : f32 to vector<16xf32>
          %mul3A_272 = arith.mulf %add3A_269, %mul3A_271 : vector<16xf32>
          %swap3A_273 = arith.index_cast %scan3A_160 : i32 to index
          %swap3A_274 = arith.constant 96 : index
          %swap3A_275 = tpu.vector_load %arg7[%swap3A_273, %swap3A_274] {strides = array<i32>} : memref<80x256xf32, #tpu.memory_space<vmem>>, vector<1x16xf32>,
          %swap3A_276 = vector.shape_cast %swap3A_275 : vector<1x16xf32> to vector<16xf32>
          %swap3A_277 = vector.shape_cast %mul3A_272 : vector<16xf32> to vector<1x16xf32>
          tpu.vector_store %arg7[%swap3A_273, %swap3A_274], %swap3A_277 {strides = array<i32>} : memref<80x256xf32, #tpu.memory_space<vmem>>, vector<1x16xf32>,
          %get3A_278 = arith.index_cast %scan3A_160 : i32 to index
          %get3A_279 = arith.constant 112 : index
          %get3A_280 = tpu.vector_load %arg7[%get3A_278, %get3A_279] {strides = array<i32>} : memref<80x256xf32, #tpu.memory_space<vmem>>, vector<1x16xf32>,
          %get3A_281 = vector.shape_cast %get3A_280 : vector<1x16xf32> to vector<16xf32>
          %get3A_282 = arith.index_cast %scan3A_160 : i32 to index
          %get3A_283 = arith.constant 112 : index
          %get3A_284 = tpu.vector_load %arg9[%get3A_282, %get3A_283] {strides = array<i32>} : memref<80x256xf32, #tpu.memory_space<vmem>>, vector<1x16xf32>,
          %get3A_285 = vector.shape_cast %get3A_284 : vector<1x16xf32> to vector<16xf32>
          %add3A_286 = arith.addf %get3A_281, %get3A_285 : vector<16xf32>
          %mul3A_287 = arith.constant 5.000000e-01 : f32
          %mul3A_288 = vector.broadcast %mul3A_287 : f32 to vector<16xf32>
          %mul3A_289 = arith.mulf %add3A_286, %mul3A_288 : vector<16xf32>
          %swap3A_290 = arith.index_cast %scan3A_160 : i32 to index
          %swap3A_291 = arith.constant 112 : index
          %swap3A_292 = tpu.vector_load %arg7[%swap3A_290, %swap3A_291] {strides = array<i32>} : memref<80x256xf32, #tpu.memory_space<vmem>>, vector<1x16xf32>,
          %swap3A_293 = vector.shape_cast %swap3A_292 : vector<1x16xf32> to vector<16xf32>
          %swap3A_294 = vector.shape_cast %mul3A_289 : vector<16xf32> to vector<1x16xf32>
          tpu.vector_store %arg7[%swap3A_290, %swap3A_291], %swap3A_294 {strides = array<i32>} : memref<80x256xf32, #tpu.memory_space<vmem>>, vector<1x16xf32>,
          %get3A_295 = arith.index_cast %scan3A_160 : i32 to index
          %get3A_296 = arith.constant 128 : index
          %get3A_297 = tpu.vector_load %arg7[%get3A_295, %get3A_296] {strides = array<i32>} : memref<80x256xf32, #tpu.memory_space<vmem>>, vector<1x16xf32>,
          %get3A_298 = vector.shape_cast %get3A_297 : vector<1x16xf32> to vector<16xf32>
          %get3A_299 = arith.index_cast %scan3A_160 : i32 to index
          %get3A_300 = arith.constant 128 : index
          %get3A_301 = tpu.vector_load %arg9[%get3A_299, %get3A_300] {strides = array<i32>} : memref<80x256xf32, #tpu.memory_space<vmem>>, vector<1x16xf32>,
          %get3A_302 = vector.shape_cast %get3A_301 : vector<1x16xf32> to vector<16xf32>
          %add3A_303 = arith.addf %get3A_298, %get3A_302 : vector<16xf32>
          %mul3A_304 = arith.constant 5.000000e-01 : f32
          %mul3A_305 = vector.broadcast %mul3A_304 : f32 to vector<16xf32>
          %mul3A_306 = arith.mulf %add3A_303, %mul3A_305 : vector<16xf32>
          %swap3A_307 = arith.index_cast %scan3A_160 : i32 to index
          %swap3A_308 = arith.constant 128 : index
          %swap3A_309 = tpu.vector_load %arg7[%swap3A_307, %swap3A_308] {strides = array<i32>} : memref<80x256xf32, #tpu.memory_space<vmem>>, vector<1x16xf32>,
          %swap3A_310 = vector.shape_cast %swap3A_309 : vector<1x16xf32> to vector<16xf32>
          %swap3A_311 = vector.shape_cast %mul3A_306 : vector<16xf32> to vector<1x16xf32>
          tpu.vector_store %arg7[%swap3A_307, %swap3A_308], %swap3A_311 {strides = array<i32>} : memref<80x256xf32, #tpu.memory_space<vmem>>, vector<1x16xf32>,
          %get3A_312 = arith.index_cast %scan3A_160 : i32 to index
          %get3A_313 = arith.constant 144 : index
          %get3A_314 = tpu.vector_load %arg7[%get3A_312, %get3A_313] {strides = array<i32>} : memref<80x256xf32, #tpu.memory_space<vmem>>, vector<1x16xf32>,
          %get3A_315 = vector.shape_cast %get3A_314 : vector<1x16xf32> to vector<16xf32>
          %get3A_316 = arith.index_cast %scan3A_160 : i32 to index
          %get3A_317 = arith.constant 144 : index
          %get3A_318 = tpu.vector_load %arg9[%get3A_316, %get3A_317] {strides = array<i32>} : memref<80x256xf32, #tpu.memory_space<vmem>>, vector<1x16xf32>,
          %get3A_319 = vector.shape_cast %get3A_318 : vector<1x16xf32> to vector<16xf32>
          %add3A_320 = arith.addf %get3A_315, %get3A_319 : vector<16xf32>
          %mul3A_321 = arith.constant 5.000000e-01 : f32
          %mul3A_322 = vector.broadcast %mul3A_321 : f32 to vector<16xf32>
          %mul3A_323 = arith.mulf %add3A_320, %mul3A_322 : vector<16xf32>
          %swap3A_324 = arith.index_cast %scan3A_160 : i32 to index
          %swap3A_325 = arith.constant 144 : index
          %swap3A_326 = tpu.vector_load %arg7[%swap3A_324, %swap3A_325] {strides = array<i32>} : memref<80x256xf32, #tpu.memory_space<vmem>>, vector<1x16xf32>,
          %swap3A_327 = vector.shape_cast %swap3A_326 : vector<1x16xf32> to vector<16xf32>
          %swap3A_328 = vector.shape_cast %mul3A_323 : vector<16xf32> to vector<1x16xf32>
          tpu.vector_store %arg7[%swap3A_324, %swap3A_325], %swap3A_328 {strides = array<i32>} : memref<80x256xf32, #tpu.memory_space<vmem>>, vector<1x16xf32>,
          %get3A_329 = arith.index_cast %scan3A_160 : i32 to index
          %get3A_330 = arith.constant 160 : index
          %get3A_331 = tpu.vector_load %arg7[%get3A_329, %get3A_330] {strides = array<i32>} : memref<80x256xf32, #tpu.memory_space<vmem>>, vector<1x16xf32>,
          %get3A_332 = vector.shape_cast %get3A_331 : vector<1x16xf32> to vector<16xf32>
          %get3A_333 = arith.index_cast %scan3A_160 : i32 to index
          %get3A_334 = arith.constant 160 : index
          %get3A_335 = tpu.vector_load %arg9[%get3A_333, %get3A_334] {strides = array<i32>} : memref<80x256xf32, #tpu.memory_space<vmem>>, vector<1x16xf32>,
          %get3A_336 = vector.shape_cast %get3A_335 : vector<1x16xf32> to vector<16xf32>
          %add3A_337 = arith.addf %get3A_332, %get3A_336 : vector<16xf32>
          %mul3A_338 = arith.constant 5.000000e-01 : f32
          %mul3A_339 = vector.broadcast %mul3A_338 : f32 to vector<16xf32>
          %mul3A_340 = arith.mulf %add3A_337, %mul3A_339 : vector<16xf32>
          %swap3A_341 = arith.index_cast %scan3A_160 : i32 to index
          %swap3A_342 = arith.constant 160 : index
          %swap3A_343 = tpu.vector_load %arg7[%swap3A_341, %swap3A_342] {strides = array<i32>} : memref<80x256xf32, #tpu.memory_space<vmem>>, vector<1x16xf32>,
          %swap3A_344 = vector.shape_cast %swap3A_343 : vector<1x16xf32> to vector<16xf32>
          %swap3A_345 = vector.shape_cast %mul3A_340 : vector<16xf32> to vector<1x16xf32>
          tpu.vector_store %arg7[%swap3A_341, %swap3A_342], %swap3A_345 {strides = array<i32>} : memref<80x256xf32, #tpu.memory_space<vmem>>, vector<1x16xf32>,
          %get3A_346 = arith.index_cast %scan3A_160 : i32 to index
          %get3A_347 = arith.constant 176 : index
          %get3A_348 = tpu.vector_load %arg7[%get3A_346, %get3A_347] {strides = array<i32>} : memref<80x256xf32, #tpu.memory_space<vmem>>, vector<1x16xf32>,
          %get3A_349 = vector.shape_cast %get3A_348 : vector<1x16xf32> to vector<16xf32>
          %get3A_350 = arith.index_cast %scan3A_160 : i32 to index
          %get3A_351 = arith.constant 176 : index
          %get3A_352 = tpu.vector_load %arg9[%get3A_350, %get3A_351] {strides = array<i32>} : memref<80x256xf32, #tpu.memory_space<vmem>>, vector<1x16xf32>,
          %get3A_353 = vector.shape_cast %get3A_352 : vector<1x16xf32> to vector<16xf32>
          %add3A_354 = arith.addf %get3A_349, %get3A_353 : vector<16xf32>
          %mul3A_355 = arith.constant 5.000000e-01 : f32
          %mul3A_356 = vector.broadcast %mul3A_355 : f32 to vector<16xf32>
          %mul3A_357 = arith.mulf %add3A_354, %mul3A_356 : vector<16xf32>
          %swap3A_358 = arith.index_cast %scan3A_160 : i32 to index
          %swap3A_359 = arith.constant 176 : index
          %swap3A_360 = tpu.vector_load %arg7[%swap3A_358, %swap3A_359] {strides = array<i32>} : memref<80x256xf32, #tpu.memory_space<vmem>>, vector<1x16xf32>,
          %swap3A_361 = vector.shape_cast %swap3A_360 : vector<1x16xf32> to vector<16xf32>
          %swap3A_362 = vector.shape_cast %mul3A_357 : vector<16xf32> to vector<1x16xf32>
          tpu.vector_store %arg7[%swap3A_358, %swap3A_359], %swap3A_362 {strides = array<i32>} : memref<80x256xf32, #tpu.memory_space<vmem>>, vector<1x16xf32>,
          %get3A_363 = arith.index_cast %scan3A_160 : i32 to index
          %get3A_364 = arith.constant 192 : index
          %get3A_365 = tpu.vector_load %arg7[%get3A_363, %get3A_364] {strides = array<i32>} : memref<80x256xf32, #tpu.memory_space<vmem>>, vector<1x16xf32>,
          %get3A_366 = vector.shape_cast %get3A_365 : vector<1x16xf32> to vector<16xf32>
          %get3A_367 = arith.index_cast %scan3A_160 : i32 to index
          %get3A_368 = arith.constant 192 : index
          %get3A_369 = tpu.vector_load %arg9[%get3A_367, %get3A_368] {strides = array<i32>} : memref<80x256xf32, #tpu.memory_space<vmem>>, vector<1x16xf32>,
          %get3A_370 = vector.shape_cast %get3A_369 : vector<1x16xf32> to vector<16xf32>
          %add3A_371 = arith.addf %get3A_366, %get3A_370 : vector<16xf32>
          %mul3A_372 = arith.constant 5.000000e-01 : f32
          %mul3A_373 = vector.broadcast %mul3A_372 : f32 to vector<16xf32>
          %mul3A_374 = arith.mulf %add3A_371, %mul3A_373 : vector<16xf32>
          %swap3A_375 = arith.index_cast %scan3A_160 : i32 to index
          %swap3A_376 = arith.constant 192 : index
          %swap3A_377 = tpu.vector_load %arg7[%swap3A_375, %swap3A_376] {strides = array<i32>} : memref<80x256xf32, #tpu.memory_space<vmem>>, vector<1x16xf32>,
          %swap3A_378 = vector.shape_cast %swap3A_377 : vector<1x16xf32> to vector<16xf32>
          %swap3A_379 = vector.shape_cast %mul3A_374 : vector<16xf32> to vector<1x16xf32>
          tpu.vector_store %arg7[%swap3A_375, %swap3A_376], %swap3A_379 {strides = array<i32>} : memref<80x256xf32, #tpu.memory_space<vmem>>, vector<1x16xf32>,
          %get3A_380 = arith.index_cast %scan3A_160 : i32 to index
          %get3A_381 = arith.constant 208 : index
          %get3A_382 = tpu.vector_load %arg7[%get3A_380, %get3A_381] {strides = array<i32>} : memref<80x256xf32, #tpu.memory_space<vmem>>, vector<1x16xf32>,
          %get3A_383 = vector.shape_cast %get3A_382 : vector<1x16xf32> to vector<16xf32>
          %get3A_384 = arith.index_cast %scan3A_160 : i32 to index
          %get3A_385 = arith.constant 208 : index
          %get3A_386 = tpu.vector_load %arg9[%get3A_384, %get3A_385] {strides = array<i32>} : memref<80x256xf32, #tpu.memory_space<vmem>>, vector<1x16xf32>,
          %get3A_387 = vector.shape_cast %get3A_386 : vector<1x16xf32> to vector<16xf32>
          %add3A_388 = arith.addf %get3A_383, %get3A_387 : vector<16xf32>
          %mul3A_389 = arith.constant 5.000000e-01 : f32
          %mul3A_390 = vector.broadcast %mul3A_389 : f32 to vector<16xf32>
          %mul3A_391 = arith.mulf %add3A_388, %mul3A_390 : vector<16xf32>
          %swap3A_392 = arith.index_cast %scan3A_160 : i32 to index
          %swap3A_393 = arith.constant 208 : index
          %swap3A_394 = tpu.vector_load %arg7[%swap3A_392, %swap3A_393] {strides = array<i32>} : memref<80x256xf32, #tpu.memory_space<vmem>>, vector<1x16xf32>,
          %swap3A_395 = vector.shape_cast %swap3A_394 : vector<1x16xf32> to vector<16xf32>
          %swap3A_396 = vector.shape_cast %mul3A_391 : vector<16xf32> to vector<1x16xf32>
          tpu.vector_store %arg7[%swap3A_392, %swap3A_393], %swap3A_396 {strides = array<i32>} : memref<80x256xf32, #tpu.memory_space<vmem>>, vector<1x16xf32>,
          %get3A_397 = arith.index_cast %scan3A_160 : i32 to index
          %get3A_398 = arith.constant 224 : index
          %get3A_399 = tpu.vector_load %arg7[%get3A_397, %get3A_398] {strides = array<i32>} : memref<80x256xf32, #tpu.memory_space<vmem>>, vector<1x16xf32>,
          %get3A_400 = vector.shape_cast %get3A_399 : vector<1x16xf32> to vector<16xf32>
          %get3A_401 = arith.index_cast %scan3A_160 : i32 to index
          %get3A_402 = arith.constant 224 : index
          %get3A_403 = tpu.vector_load %arg9[%get3A_401, %get3A_402] {strides = array<i32>} : memref<80x256xf32, #tpu.memory_space<vmem>>, vector<1x16xf32>,
          %get3A_404 = vector.shape_cast %get3A_403 : vector<1x16xf32> to vector<16xf32>
          %add3A_405 = arith.addf %get3A_400, %get3A_404 : vector<16xf32>
          %mul3A_406 = arith.constant 5.000000e-01 : f32
          %mul3A_407 = vector.broadcast %mul3A_406 : f32 to vector<16xf32>
          %mul3A_408 = arith.mulf %add3A_405, %mul3A_407 : vector<16xf32>
          %swap3A_409 = arith.index_cast %scan3A_160 : i32 to index
          %swap3A_410 = arith.constant 224 : index
          %swap3A_411 = tpu.vector_load %arg7[%swap3A_409, %swap3A_410] {strides = array<i32>} : memref<80x256xf32, #tpu.memory_space<vmem>>, vector<1x16xf32>,
          %swap3A_412 = vector.shape_cast %swap3A_411 : vector<1x16xf32> to vector<16xf32>
          %swap3A_413 = vector.shape_cast %mul3A_408 : vector<16xf32> to vector<1x16xf32>
          tpu.vector_store %arg7[%swap3A_409, %swap3A_410], %swap3A_413 {strides = array<i32>} : memref<80x256xf32, #tpu.memory_space<vmem>>, vector<1x16xf32>,
          %get3A_414 = arith.index_cast %scan3A_160 : i32 to index
          %get3A_415 = arith.constant 240 : index
          %get3A_416 = tpu.vector_load %arg7[%get3A_414, %get3A_415] {strides = array<i32>} : memref<80x256xf32, #tpu.memory_space<vmem>>, vector<1x16xf32>,
          %get3A_417 = vector.shape_cast %get3A_416 : vector<1x16xf32> to vector<16xf32>
          %get3A_418 = arith.index_cast %scan3A_160 : i32 to index
          %get3A_419 = arith.constant 240 : index
          %get3A_420 = tpu.vector_load %arg9[%get3A_418, %get3A_419] {strides = array<i32>} : memref<80x256xf32, #tpu.memory_space<vmem>>, vector<1x16xf32>,
          %get3A_421 = vector.shape_cast %get3A_420 : vector<1x16xf32> to vector<16xf32>
          %add3A_422 = arith.addf %get3A_417, %get3A_421 : vector<16xf32>
          %mul3A_423 = arith.constant 5.000000e-01 : f32
          %mul3A_424 = vector.broadcast %mul3A_423 : f32 to vector<16xf32>
          %mul3A_425 = arith.mulf %add3A_422, %mul3A_424 : vector<16xf32>
          %swap3A_426 = arith.index_cast %scan3A_160 : i32 to index
          %swap3A_427 = arith.constant 240 : index
          %swap3A_428 = tpu.vector_load %arg7[%swap3A_426, %swap3A_427] {strides = array<i32>} : memref<80x256xf32, #tpu.memory_space<vmem>>, vector<1x16xf32>,
          %swap3A_429 = vector.shape_cast %swap3A_428 : vector<1x16xf32> to vector<16xf32>
          %swap3A_430 = vector.shape_cast %mul3A_425 : vector<16xf32> to vector<1x16xf32>
          tpu.vector_store %arg7[%swap3A_426, %swap3A_427], %swap3A_430 {strides = array<i32>} : memref<80x256xf32, #tpu.memory_space<vmem>>, vector<1x16xf32>,
        }
        %scan3A_151 = arith.constant 80 : i32
        %mul3A_152 = arith.constant 80 : i32
        %mul3A_153 = arith.muli %add3A_121, %mul3A_152 : i32
        %add3A_154 = arith.constant 50000 : i32
        %add3A_155 = arith.addi %add3A_154, %mul3A_153 : i32
        %dma_start3A_156 = arith.constant 0 : i32
        %dma_start3A_157 = tpu.memref_slice %arg5[%add3A_155, %dma_start3A_156] : memref<100000x256xf32, #tpu.memory_space<hbm>> -> memref<80x256xf32, #tpu.memory_space<hbm>>
        %dma_start3A_158 = arith.constant 0 : i32
        %dma_start3A_159 = tpu.memref_slice %arg5[%add3A_155, %dma_start3A_158] : memref<100000x256xf32, #tpu.memory_space<hbm>> -> memref<80x256xf32, #tpu.memory_space<hbm>>
        tpu.enqueue_dma source(%arg7 : memref<80x256xf32, #tpu.memory_space<vmem>>) target(%dma_start3A_159 : memref<80x256xf32, #tpu.memory_space<hbm>>) target_semaphore(%arg19 : memref<!tpu.dma_semaphore, #tpu.memory_space<semaphore_mem>>)
      } else {
      }
    }
    %scan3A_56 = arith.constant 10 : i32
    %gt3A = arith.constant 18 : i32
    %gt3A_57 = arith.cmpi sgt, %sub3A_47, %gt3A : i32
    %convert_element_type3A = arith.extui %gt3A_57 : i1 to i32
    %cond3A = arith.constant 0 : i32
    %cond3A_58 = arith.cmpi ne, %convert_element_type3A, %cond3A : i32
    scf.if %cond3A_58 {
      %dma_wait3A = arith.constant 0 : i32
      %dma_wait3A_64 = arith.constant 0 : i32
      %dma_wait3A_65 = tpu.memref_slice %arg5[%dma_wait3A, %dma_wait3A_64] : memref<100000x256xf32, #tpu.memory_space<hbm>> -> memref<80x256xf32, #tpu.memory_space<hbm>>
      %dma_wait3A_66 = arith.constant 0 : i32
      %dma_wait3A_67 = arith.constant 0 : i32
      %dma_wait3A_68 = tpu.memref_slice %arg5[%dma_wait3A_66, %dma_wait3A_67] : memref<100000x256xf32, #tpu.memory_space<hbm>> -> memref<80x256xf32, #tpu.memory_space<hbm>>
      tpu.wait_dma2 semaphore(%arg18 : memref<!tpu.dma_semaphore, #tpu.memory_space<semaphore_mem>>) src(%arg6 : memref<80x256xf32, #tpu.memory_space<vmem>>) dst(%dma_wait3A_68 : memref<80x256xf32, #tpu.memory_space<hbm>>)
      %dma_wait3A_69 = arith.constant 0 : i32
      %dma_wait3A_70 = arith.constant 0 : i32
      %dma_wait3A_71 = tpu.memref_slice %arg5[%dma_wait3A_69, %dma_wait3A_70] : memref<100000x256xf32, #tpu.memory_space<hbm>> -> memref<80x256xf32, #tpu.memory_space<hbm>>
      %dma_wait3A_72 = arith.constant 0 : i32
      %dma_wait3A_73 = arith.constant 0 : i32
      %dma_wait3A_74 = tpu.memref_slice %arg5[%dma_wait3A_72, %dma_wait3A_73] : memref<100000x256xf32, #tpu.memory_space<hbm>> -> memref<80x256xf32, #tpu.memory_space<hbm>>
      tpu.wait_dma2 semaphore(%arg22 : memref<!tpu.dma_semaphore, #tpu.memory_space<semaphore_mem>>) src(%arg10 : memref<80x256xf32, #tpu.memory_space<vmem>>) dst(%dma_wait3A_74 : memref<80x256xf32, #tpu.memory_space<hbm>>)
    } else {
    }
    %gt3A_59 = arith.constant 19 : i32
    %gt3A_60 = arith.cmpi sgt, %sub3A_47, %gt3A_59 : i32
    %convert_element_type3A_61 = arith.extui %gt3A_60 : i1 to i32
    %cond3A_62 = arith.constant 0 : i32
    %cond3A_63 = arith.cmpi ne, %convert_element_type3A_61, %cond3A_62 : i32
    scf.if %cond3A_63 {
      %dma_wait3A = arith.constant 0 : i32
      %dma_wait3A_64 = arith.constant 0 : i32
      %dma_wait3A_65 = tpu.memref_slice %arg5[%dma_wait3A, %dma_wait3A_64] : memref<100000x256xf32, #tpu.memory_space<hbm>> -> memref<80x256xf32, #tpu.memory_space<hbm>>
      %dma_wait3A_66 = arith.constant 0 : i32
      %dma_wait3A_67 = arith.constant 0 : i32
      %dma_wait3A_68 = tpu.memref_slice %arg5[%dma_wait3A_66, %dma_wait3A_67] : memref<100000x256xf32, #tpu.memory_space<hbm>> -> memref<80x256xf32, #tpu.memory_space<hbm>>
      tpu.wait_dma2 semaphore(%arg19 : memref<!tpu.dma_semaphore, #tpu.memory_space<semaphore_mem>>) src(%arg7 : memref<80x256xf32, #tpu.memory_space<vmem>>) dst(%dma_wait3A_68 : memref<80x256xf32, #tpu.memory_space<hbm>>)
      %dma_wait3A_69 = arith.constant 0 : i32
      %dma_wait3A_70 = arith.constant 0 : i32
      %dma_wait3A_71 = tpu.memref_slice %arg5[%dma_wait3A_69, %dma_wait3A_70] : memref<100000x256xf32, #tpu.memory_space<hbm>> -> memref<80x256xf32, #tpu.memory_space<hbm>>
      %dma_wait3A_72 = arith.constant 0 : i32
      %dma_wait3A_73 = arith.constant 0 : i32
      %dma_wait3A_74 = tpu.memref_slice %arg5[%dma_wait3A_72, %dma_wait3A_73] : memref<100000x256xf32, #tpu.memory_space<hbm>> -> memref<80x256xf32, #tpu.memory_space<hbm>>
      tpu.wait_dma2 semaphore(%arg23 : memref<!tpu.dma_semaphore, #tpu.memory_space<semaphore_mem>>) src(%arg11 : memref<80x256xf32, #tpu.memory_space<vmem>>) dst(%dma_wait3A_74 : memref<80x256xf32, #tpu.memory_space<hbm>>)
    } else {
    }
    return
  }
}

</mosaic_0001>

<sc_bundles>
// kernel: _pool.3.cloned.1.call-start
scs
__scs_entry_jumppad:
0x0: {  	(pc) =	sbr.rel $0x88, $3  }
0x1: {  	(tag) =	ssettag $0x0;
	lr =	simm.s32 $0x1  }
0x2: {  	[smem:$0x3F9E] =	sst lr;
	_ =	strace $0xD0000000  }
0x3: {  	_ = 	snop  }
0x4: {  	_ = 	snop  }
0x5: {  	_ = 	snop  }
0x6: {  	_ = 	snop  }
0x7: {  	_ = 	snop  }
__scs_overlays_trampoline_lowered:
0x8: {  	[smem:$0x3FAD] =	sst s0  }
0x9: {  	[smem:$0x3FAE] =	sst s1  }
0xa: {  	[smem:$0x3FAF] =	sst s2  }
0xb: {  	[smem:$0x3FB0] =	sst s3  }
0xc: {  	[smem:$0x3FB1] =	sst s4  }
0xd: {  	[smem:$0x3FB2] =	sst s5  }
0xe: {  	[smem:$0x3FB3] =	sst s6  }
0xf: {  	[smem:$0x3FB4] =	sst s7  }
0x10: {  	[smem:$0x3FB5] =	sst s8  }
0x11: {  	[smem:$0x3FB6] =	sst s9;
	s0 =	simm.s32 @!p0 $0x0  }
0x12: {  	s1 =	sld [smem:$0x3F9C];
	s0 =	simm.s32 @p0 $0x1  }
0x13: {  	[smem:$0x3FB7] =	sst s0;
	s0 =	simm.s32 @!p1 $0x0  }
0x14: {  	s2 =	sld [smem:$0x3F9B];
	s0 =	simm.s32 @p1 $0x1  }
0x15: {  	[smem:$0x3FB8] =	sst s0;
	s0 =	simm.s32 @!p2 $0x0  }
0x16: {  	s3 =	sld [smem:$0x3FDB];
	s0 =	simm.s32 @p2 $0x1  }
0x17: {  	s4 =	simm.s32 $0x1BF5;
	[smem:$0x3FBA] =	sst s0  }
0x18: {  	s0 =	sld [smem:$0x3F9D];
	_ =	swait.ge [sflag:s4], $0x0  }
0x19: {  	s7 =	sld [smem:$0x3F9E]  }
0x1a: {  	s8 =	sadd.s32 $0xFFFFE003, lr  }
0x1b: {  	s9 =	sadd.s32 $0xFFFFFEF7, lr;
	s5 =	simm.s32 $0xFFFFFFFF;
	p2 =	slt.u32 s8, $0xFFFFF086  }
0x1c: {  	p1 =	slt.u32 s9, $0xF7A;
	s5 =	simm.s32 @!p2 $0x0  }
0x1d: {  	s5 =	simm.s32 @p1 $0x1;
	p0 =	seq.s32 s7, s2  }
0x1e: {  	s7 =	smul.u32 @!p0 $0xF7A, s2;
	p2 =	seq.s32 @!p0 s5, $0x0  }
0x1f: {  	s9 =	smul.u32 $0xF7A, s1;
	s8 =	simm.s32 @!p0 $0x1BF5;
	p2 =	por !p2, p0  }
0x20: {  	[sflag:s8] =	ssyncset.s32 @!p0 $0xFFFFF086;
	s6 =	sadd.s32 @!p0 s3, s7;
	s7 =	simm.s32 @!p0 $0x108  }
0x21: {  	s3 =	sadd.s32 s3, s9;
	s6 =	sadd.s32 @!p0 $0x88, s6;
	s7 =	simm.s32 @p2 $0x1082  }
0x22: {  	[simem:s7], [sflag:s8] =	dma.local @!p0 [hbm:s6], $0xF7A  }
0x23: {  	s9 =	sor.u32 $0xD0000000, s2;
	s6 =	simm.s32 $0x108;
	_ =	swait.ge @!p0 [sflag:s8], $0x0  }
0x24: {  	s3 =	sadd.s32 $0x88, s3;
	s6 =	simm.s32 @!p1 $0x1082;
	[sflag:s4] =	ssyncset.s32 $0xFFFFF086  }
0x25: {  	[simem:s6], [sflag:s4] =	dma.local [hbm:s3], $0xF7A  }
0x26: {  	[smem:$0x3F9E] =	sst s1;
	(tag) =	ssettag s2;
	_ =	strace s9  }
0x27: {  	s1 =	sld [smem:$0x3FAE]  }
0x28: {  	s2 =	sld [smem:$0x3FAF]  }
0x29: {  	s4 =	sld [smem:$0x3FB1]  }
0x2a: {  	p0 =	seq.s32 s5, $0x0;
	s5 =	sld [smem:$0x3FB2]  }
0x2b: {  	s6 =	sld [smem:$0x3FB3]  }
0x2c: {  	s7 =	sld [smem:$0x3FB4]  }
0x2d: {  	s3 =	simm.s32 $0x108;
	s8 =	sld [smem:$0x3FB5]  }
0x2e: {  	s3 =	simm.s32 @!p0 $0x1082;
	s9 =	sld [smem:$0x3FB6]  }
0x2f: {  	lr =	sadd.s32 s0, s3;
	s0 =	sld [smem:$0x3FAD]  }
0x30: {  	s3 =	sld [smem:$0x3FB0]  }
0x31: {  	[smem:$0x3FB9] =	sst s10  }
0x32: {  	s10 =	sld [smem:$0x3FB7];
	_ =	sdelay $0x3  }
0x33: {  	p0 =	seq.s32 s10, $0x1;
	s10 =	sld [smem:$0x3FB9];
	_ =	sdelay $0x3  }
0x34: {  	[smem:$0x3FB9] =	sst s10  }
0x35: {  	s10 =	sld [smem:$0x3FB8];
	_ =	sdelay $0x3  }
0x36: {  	p1 =	seq.s32 s10, $0x1;
	s10 =	sld [smem:$0x3FB9];
	_ =	sdelay $0x3  }
0x37: {  	[smem:$0x3FB9] =	sst s10  }
0x38: {  	s10 =	sld [smem:$0x3FBA]  }
0x39: {  	_ = 	snop;
	(pc) =	sbr.ind lr, $3  }
0x3a: {  	_ = 	snop  }
0x3b: {  	_ = 	snop  }
0x3c: {  	p2 =	seq.s32 s10, $0x1;
	s10 =	sld [smem:$0x3FB9]  }
0x3d: {  	_ =	shalt  }
0x3e: {  	_ =	shalt  }
0x3f: {  	_ =	shalt  }
0x40: {  	_ =	shalt  }
0x41: {  	_ =	shalt  }
0x42: {  	_ =	shalt  }
0x43: {  	_ =	shalt  }
0x44: {  	_ =	shalt  }
0x45: {  	_ =	shalt  }
0x46: {  	_ =	shalt  }
0x47: {  	_ =	shalt  }
0x48: {  	_ =	shalt  }
0x49: {  	_ =	shalt  }
0x4a: {  	_ =	shalt  }
0x4b: {  	_ =	shalt  }
0x4c: {  	_ =	shalt  }
0x4d: {  	_ =	shalt  }
0x4e: {  	_ =	shalt  }
0x4f: {  	_ =	shalt  }
0x50: {  	_ =	shalt  }
0x51: {  	_ =	shalt  }
0x52: {  	_ =	shalt  }
0x53: {  	_ =	shalt  }
0x54: {  	_ =	shalt  }
0x55: {  	_ =	shalt  }
0x56: {  	_ =	shalt  }
0x57: {  	_ =	shalt  }
0x58: {  	_ =	shalt  }
0x59: {  	_ =	shalt  }
0x5a: {  	_ =	shalt  }
0x5b: {  	_ =	shalt  }
0x5c: {  	_ =	shalt  }
0x5d: {  	_ =	shalt  }
0x5e: {  	_ =	shalt  }
0x5f: {  	_ =	shalt  }
0x60: {  	_ =	shalt  }
0x61: {  	_ =	shalt  }
0x62: {  	_ =	shalt  }
0x63: {  	_ =	shalt  }
0x64: {  	_ =	shalt  }
0x65: {  	_ =	shalt  }
0x66: {  	_ =	shalt  }
0x67: {  	_ =	shalt  }
0x68: {  	_ =	shalt  }
0x69: {  	_ =	shalt  }
0x6a: {  	_ =	shalt  }
0x6b: {  	_ =	shalt  }
0x6c: {  	_ =	shalt  }
0x6d: {  	_ =	shalt  }
0x6e: {  	_ =	shalt  }
0x6f: {  	_ =	shalt  }
0x70: {  	_ =	shalt  }
0x71: {  	_ =	shalt  }
0x72: {  	_ =	shalt  }
0x73: {  	_ =	shalt  }
0x74: {  	_ =	shalt  }
0x75: {  	_ =	shalt  }
0x76: {  	_ =	shalt  }
0x77: {  	_ =	shalt  }
0x78: {  	_ =	shalt  }
0x79: {  	_ =	shalt  }
0x7a: {  	_ =	shalt  }
0x7b: {  	_ =	shalt  }
0x7c: {  	_ =	shalt  }
0x7d: {  	_ =	shalt  }
0x7e: {  	_ =	shalt  }
0x7f: {  	_ =	shalt  }
0x80: {  	_ =	shalt  }
0x81: {  	_ =	shalt  }
0x82: {  	_ =	shalt  }
0x83: {  	_ =	shalt  }
0x84: {  	_ =	shalt  }
0x85: {  	_ =	shalt  }
0x86: {  	_ =	shalt  }
0x87: {  	_ =	shalt  }
.Lfunc_end0:
.L_simem_size_0:
called_computation_lowered:
.L_overlay_start_0:
0x88: {  	s2 =	sld [smem:$0x3FD9]  }
0x89: {  	s3 =	sld [smem:$0x3FFE];
	_ =	sdelay $0x1  }
0x8a: {  	s1 =	srdreg.scid  }
0x8b: {  	s0 =	sand.u32 $0x1, s1  }
0x8c: {  	s18 =	sshll.u32 s0, $0xA;
	s2 =	sadd.s32 s3, s2  }
0x8d: {  	s2 =	sadd.s32 s2, s18  }
0x8e: {  	[smem:$0x3FC5] =	sst s2  }
0x8f: {  	_ = 	snop  }
0x90: {  	s2 =	sld [smem:$0x3FC9]  }
0x91: {  	s19 =	sld [smem:$0x3FC8]  }
0x92: {  	s4 =	sld [smem:$0x3FC7]  }
0x93: {  	s5 =	sld [smem:$0x3FD0];
	(tm) =	ssettm $0x1  }
0x94: {  	s6 =	sld [smem:$0x3FFB];
	_ =	sdelay $0x3  }
0x95: {  	_ =	strace s6  }
0x96: {  	s6 =	sld [smem:$0x3FFC];
	_ =	sdelay $0x3  }
0x97: {  	_ =	strace s6  }
0x98: {  	s6 =	sld [smem:$0x3FFD];
	_ =	sdelay $0x3  }
0x99: {  	_ =	strace s6  }
0x9a: {  	_ =	strace $0x8FFFFFFF  }
0x9b: {  	s20 =	sld [smem:$0x3FDB];
	_ =	sdelay $0x1  }
0x9c: {  	s7 =	simm.s32 $_scs_section_size  }
0x9d: {  	s8 =	simm.s32 $_size__tile_overlayer_lowered;
	s9 =	simm.s32 $_tile_overlayer_lowered  }
0x9e: {  	s23 =	simm.s32 $0x1BFF;
	s22 =	sshll.u32 s9, $0x1;
	s6 =	sadd.s32 s7, s20  }
0x9f: {  	s10 =	simm.s32 $0x0;
	s21 =	sshll.u32 s8, $0x1;
	s8 =	sadd.s32 s22, s6  }
0xa0: {  	[timem:s10], [sflag:s23] =	dma.local [hbm:s8], s21  }
0xa1: {  	_ =	swait.ge [sflag:s23], s21  }
0xa2: {  	s7 =	ssub.s32 $0x0, s21;
	[sflag:s23] =	ssyncset.done $0x0  }
0xa3: {  	[sflag:s23] =	ssyncadd.s32 s7;
	_ =	sdelay $0x1  }
0xa4: {  	s24 =	simm.s32 $0x1B8B  }
0xa5: {  	_ =	swait.ge [sflag:s24], $0x1  }
0xa6: {  	[sflag:s24] =	ssyncset.done $0x0  }
0xa7: {  	s25 =	simm.s32 $0x1B8E;
	[sflag:s24] =	ssyncadd.s32 $0xFFFFFFFF  }
0xa8: {  	s26 =	simm.s32 $execute0_lowered;
	[smem:$0x3FD2] =	sst s25  }
0xa9: {  	s7 =	sshll.u32 s26, $0x1;
	_ =	strace $0x80000046;
	[dreg:$0x1] =	wrdreg $0xFFFFFFFF  }
0xaa: {  	s28 =	simm.s32 $_size_execute0_lowered;
	s6 =	sadd.s32 s6, s7;
	[dreg:$0x0] =	wrdreg $0x0  }
0xab: {  	s7 =	sshll.u32 s28, $0x1;
	[dreg:$0x2] =	wrdreg s6  }
0xac: {  	[dreg:$0x3] =	wrdreg s7  }
0xad: {  	[dreg:$0x4] =	wrdreg $0xC0  }
0xae: {  	_ =	task [dreg:s10], $0x5FFFF  }
0xaf: {  	[dreg:$0x1] =	wrdreg $0xFFFFFFFF  }
0xb0: {  	[dreg:$0x0] =	wrdreg $0x60  }
0xb1: {  	[dreg:$0x2] =	wrdreg s2  }
0xb2: {  	[dreg:$0x3] =	wrdreg s19  }
0xb3: {  	[dreg:$0x4] =	wrdreg s4  }
0xb4: {  	[dreg:$0x5] =	wrdreg s5  }
0xb5: {  	[dreg:$0x6] =	wrdreg $0x9  }
0xb6: {  	_ =	task.clear_ibuf [dreg:s10], $0x7FFFF;
	_ =	strace $0x90000046  }
0xb7: {  	s29 =	simm.s32 $0x9;
	_ =	strace $0x80000048  }
0xb8: {  	_ =	swait.ge [sflag:s29], $0x1  }
0xb9: {  	[sflag:s29] =	ssyncadd.s32 $0xFFFFFFFF  }
0xba: {  	_ =	strace $0x90000048  }
0xbb: {  	_ =	sfence  }
0xbc: {  	s30 =	sld [smem:$0x0];
	_ =	sdelay $0x2  }
0xbd: {  	s31 =	sshll.u32 s1, $0xD;
	s1 =	sshrl.u32 s1, $0x2  }
0xbe: {  	s3 =	sand.u32 $0x4000, s31;
	s1 =	sadd.s32 s1, s30  }
0xbf: {  	s0 =	sor.u32 s3, s0;
	s1 =	sshll.u32 s1, $0x11  }
0xc0: {  	s0 =	sor.u32 s1, s0  }
0xc1: {  	s0 =	sadd.s32 $0x8F2B, s0  }
0xc2: {  	[sflag:s0] =	ssyncadd.remote.s32 $0x1  }
0xc3: {  	_ =	sfence.sel $0xFFFF  }
0xc4: {  	[dreg:$0x0] =	wrdreg $0xFFFFFFFF;
	(pc) =	sbr.abs _section_cstart, $3  }
0xc5: {  	[dreg:$0x1] =	wrdreg $0xFFFFFFFF  }
0xc6: {  	_ =	task.clear_ibuf [dreg:s10], $0x2FFFF;
	_ =	strace $0x9FFFFFFF  }
0xc7: {  	(tm) =	ssettm $0x7FFFFFFF  }
tec
execute0_lowered:
.L_overlay_start_1:
0x0: {  	(tag) =	ssettag $0x1  }
0x1: {  	s1 =	rddreg [dreg:$0x0]  }
0x2: {  	s0 =	srdreg.scid;
	s2 =	rddreg [dreg:$0x1]  }
0x3: {  	s3 =	stileid.u32;
	s7 =	rddreg [dreg:$0x2]  }
0x4: {  	s11 =	simm.s32 $0x14000;
	s13 =	simm.s32 $0x5000;
	s21 =	simm.s32 $0x10000  }
0x5: {  	s22 =	simm.s32 $0x10800;
	s23 =	simm.s32 $0x11000;
	s24 =	simm.s32 $0x11800  }
0x6: {  	s25 =	simm.s32 $0x12000;
	s28 =	simm.s32 $0x13000;
	s29 =	simm.s32 $0x13800  }
0x7: {  	s30 =	simm.s32 $0x19000;
	s0 =	sand.u32 $0x1, s0;
	s3 =	sshll.u32 s3, $0x1  }
0x8: {  	s31 =	simm.s32 $0x7;
	s10 =	simm.s32 $0x4;
	s4 =	sor.u32 s0, s3  }
0x9: {  	s15 =	simm.s32 $0x0;
	s0 =	ssub.s32 $0x2, s0;
	s6 =	smul.u32 $0x271, s4  }
0xa: {  	s3 =	rddreg [dreg:$0x3];
	s4 =	simm.s32 $0x0;
	s9 =	sshrl.u32 s0, $0x1  }
0xb: {  	[smem:$0x7FF] =	sst s4;
	s0 =	ssub.s32 s0, s9;
	s5 =	sshrl.u32 s6, $0x5  }
0xc: {  	s6 =	sadd.s32 $0x271, s6;
	_ =	strace $0x80000047;
	s0 =	smax.u32 s0, $0x1  }
0xd: {  	s8 =	smul.u32 $0xA, s5;
	s6 =	sshrl.u32 s6, $0x5;
	[dreg:$0x7] =	wrdreg s0  }
.Ltmp0:
0xe: {  	s0 =	simm.s32 $0x3;
	s6 =	ssub.s32 s6, s5;
	(pc) =	sbr.rel .LBB2_1-.Ltmp0, $4  }
0xf: {  	s2 =	sadd.s32 s2, s8;
	s26 =	sadd.s32 s7, s8;
	s9 =	sadd.s32 $0x2, s6  }
0x10: {  	v2 =	vlaneseq.u32;
	p0 =	slt.s32 s6, $0x13;
	s7 =	simm.s32 $0x8;
	[dreg:$0x5] =	wrdreg s2  }
0x11: {  	vm0 =	vmmov $0xffff;
	v1 =	vshrl.u32 v2, $0x3;
	s8 =	simm.s32 $0x2;
	[dreg:$0x6] =	wrdreg s26;
	p1 =	seq.s32 @!p0 s6, $0x13  }
0x12: {  	v0 =	vand.u32 $0x7, v2;
	v2 =	vor.u32 $0x8, v2;
	v1 =	vmul.u32 $0x8, v1;
	s26 =	simm.s32 $0x12800;
	s2 =	simm.s32 $0x1;
	p1 =	por p1, p0  }
.LBB2_15:
0x13: {  	s12 =	simm.s32 @!p0 $0x5  }
0x14: {  	_ =	swait.ge @!p0 [sflag:s12], $0x5000  }
0x15: {  	[sflag:s12] =	ssyncset.done @!p0 $0x0  }
0x16: {  	[sflag:s12] =	ssyncadd.s32 @!p0 $0xFFFFB000;
	s12 =	simm.s32 @!p0 $0x9  }
0x17: {  	_ =	swait.ge @!p0 [sflag:s12], $0x5000  }
0x18: {  	[sflag:s12] =	ssyncset.done @!p0 $0x0  }
0x19: {  	[sflag:s12] =	ssyncadd.s32 @!p0 $0xFFFFB000;
	s12 =	simm.s32 @!p1 $0x6  }
0x1a: {  	_ =	swait.ge @!p1 [sflag:s12], $0x5000  }
0x1b: {  	[sflag:s12] =	ssyncset.done @!p1 $0x0  }
0x1c: {  	[sflag:s12] =	ssyncadd.s32 @!p1 $0xFFFFB000;
	s12 =	simm.s32 @!p1 $0xA  }
0x1d: {  	_ =	swait.ge @!p1 [sflag:s12], $0x5000  }
0x1e: {  	s15 =	rddreg [dreg:$0x8]  }
0x1f: {  	s14 =	rddreg [dreg:$0x7];
	s15 =	sadd.s32 $0x1, s15  }
0x20: {  	p2 =	sne.s32 s15, s14  }
.Ltmp1:
0x21: {  	_ = 	snop;
	(pc) =	sbr.rel @!p2 .LBB2_16-.Ltmp1, $3  }
0x22: {  	_ =	sdelay $0x1  }
0x23: {  	[sflag:s12] =	ssyncset.done @!p1 $0x0  }
0x24: {  	[sflag:s12] =	ssyncadd.s32 @!p1 $0xFFFFB000  }
.LBB2_1:
0x25: {  	[dreg:$0x8] =	wrdreg s15  }
0x26: {  	s12 =	rddreg [dreg:$0x5];
	s14 =	simm.s32 $0x1E000;
	s18 =	simm.s32 $0xB  }
0x27: {  	[tilespmem:s14], [sflag:$0xB] =	stream.linear.gather [hbm4b:s12+s4], $0x640, $0x38;
	[tilespmem:$0x1ED00] =	vst v63  }
0x28: {  	_ =	swait.ge [sflag:s18], $0x640  }
0x29: {  	s20 =	simm.s32 $0x1E680;
	[sflag:s18] =	ssyncset.done $0x0  }
.Ltmp2:
0x2a: {  	s19 =	rddreg [dreg:$0x6];
	[sflag:s18] =	ssyncadd.s32 $0xFFFFF9C0;
	(pc) =	sbr.rel .LBB2_2-.Ltmp2, $4  }
0x2b: {  	[tilespmem:s20], [sflag:$0xB] =	stream.linear.gather [hbm4b:s19+s4], $0x640, $0x38;
	[tilespmem:$0x1ED00] =	vst v63  }
0x2c: {  	_ =	swait.ge [sflag:s18], $0x640  }
0x2d: {  	[sflag:s18] =	ssyncset.done $0x0  }
0x2e: {  	s12 =	simm.s32 $0x0;
	[sflag:s18] =	ssyncadd.s32 $0xFFFFF9C0  }
.LBB2_14:
0x2f: {  	s12 =	sadd.s32 $0x1, s12  }
0x30: {  	p2 =	sne.s32 s12, $0xA  }
.Ltmp3:
0x31: {  	_ = 	snop;
	(pc) =	sbr.rel @!p2 .LBB2_15-.Ltmp3, $1  }
0x32: {  	_ =	sdelay $0x3  }
.LBB2_2:
0x33: {  	s14 =	sshll.u32 s12, $0x1;
	p2 =	seq.s32 s12, $0x0  }
0x34: {  	p3 =	sge.s32 @!p2 s14, s9  }
0x35: {  	p4 =	por p3, p2  }
0x36: {  	s15 =	simm.s32 @!p4 $0x5  }
0x37: {  	p3 =	sge.s32 s14, s6;
	_ =	swait.ge @!p4 [sflag:s15], $0x5000  }
.Ltmp4:
0x38: {  	[sflag:s15] =	ssyncset.done @!p4 $0x0;
	(pc) =	sbr.rel @p3 .LBB2_4-.Ltmp4, $4  }
0x39: {  	s16 =	simm.s32 @!p4 $0x9;
	[sflag:s15] =	ssyncadd.s32 @!p4 $0xFFFFB000  }
0x3a: {  	_ =	swait.ge @!p4 [sflag:s16], $0x5000  }
0x3b: {  	[sflag:s16] =	ssyncset.done @!p4 $0x0  }
0x3c: {  	s15 =	sadd.s32 s5, s14;
	[sflag:s16] =	ssyncadd.s32 @!p4 $0xFFFFB000  }
0x3d: {  	s16 =	smul.u32 $0xA0, s12;
	_ =	sdelay $0x1  }
0x3e: {  	v3 =	vld [tilespmem:s16+$0x1E000];
	_ =	sdelay $0x4  }
0x3f: {  	v4 =	vshll.u32 v3, $0x1  }
0x40: {  	v3 =	vand.u32 $0x7, v3;
	v4 =	vand.u32 $0xFFFFFFF0, v4  }
0x41: {  	v3 =	vor.u32 v3, v4  }
0x42: {  	v4 =	vperm.xlane v3, v0;
	_ =	sdelay $0x1  }
0x43: {  	v3 =	vperm.xlane v3, v2;
	v4 =	vadd.s32 v1, v4;
	_ =	sdelay $0x1  }
0x44: {  	v3 =	vadd.s32 v1, v3;
	_ =	sdelay $0x2  }
0x45: {  	[tilespmem:s4], [sflag:$0x1] =	stream.indirect_vreg.gather [hbm4b:s1+s4], $0x80, v4, vm0, $0xb8;
	[tilespmem:$0x1ED00] =	vst v63  }
0x46: {  	s17 =	simm.s32 $0x800  }
0x47: {  	[tilespmem:s17], [sflag:$0x1] =	stream.indirect_vreg.gather [hbm4b:s1+s4], $0x80, v3, vm0, $0xb8;
	[tilespmem:$0x1ED00] =	vst v63  }
0x48: {  	v3 =	vld [tilespmem:s16+$0x1E010];
	_ =	sdelay $0x4  }
0x49: {  	v55 =	vshll.u32 v3, $0x1  }
0x4a: {  	v3 =	vand.u32 $0x7, v3;
	v4 =	vand.u32 $0xFFFFFFF0, v55  }
0x4b: {  	v3 =	vor.u32 v3, v4  }
0x4c: {  	v4 =	vperm.xlane v3, v0;
	_ =	sdelay $0x1  }
0x4d: {  	v3 =	vperm.xlane v3, v2;
	v4 =	vadd.s32 v1, v4;
	_ =	sdelay $0x1  }
0x4e: {  	v3 =	vadd.s32 v1, v3;
	_ =	sdelay $0x1  }
0x4f: {  	s20 =	simm.s32 $0x1000  }
0x50: {  	[tilespmem:s20], [sflag:$0x1] =	stream.indirect_vreg.gather [hbm4b:s1+s4], $0x80, v4, vm0, $0xb8;
	[tilespmem:$0x1ED00] =	vst v63  }
0x51: {  	s18 =	simm.s32 $0x1800  }
0x52: {  	[tilespmem:s18], [sflag:$0x1] =	stream.indirect_vreg.gather [hbm4b:s1+s4], $0x80, v3, vm0, $0xb8;
	[tilespmem:$0x1ED00] =	vst v63  }
0x53: {  	v3 =	vld [tilespmem:s16+$0x1E020];
	_ =	sdelay $0x4  }
0x54: {  	v56 =	vshll.u32 v3, $0x1  }
0x55: {  	v3 =	vand.u32 $0x7, v3;
	v4 =	vand.u32 $0xFFFFFFF0, v56  }
0x56: {  	v3 =	vor.u32 v3, v4  }
0x57: {  	v4 =	vperm.xlane v3, v0;
	_ =	sdelay $0x1  }
0x58: {  	v3 =	vperm.xlane v3, v2;
	v4 =	vadd.s32 v1, v4;
	_ =	sdelay $0x1  }
0x59: {  	v3 =	vadd.s32 v1, v3;
	_ =	sdelay $0x1  }
0x5a: {  	s19 =	simm.s32 $0x2000  }
0x5b: {  	[tilespmem:s19], [sflag:$0x1] =	stream.indirect_vreg.gather [hbm4b:s1+s4], $0x80, v4, vm0, $0xb8;
	[tilespmem:$0x1ED00] =	vst v63  }
0x5c: {  	s20 =	simm.s32 $0x2800  }
0x5d: {  	[tilespmem:s20], [sflag:$0x1] =	stream.indirect_vreg.gather [hbm4b:s1+s4], $0x80, v3, vm0, $0xb8;
	[tilespmem:$0x1ED00] =	vst v63  }
0x5e: {  	v3 =	vld [tilespmem:s16+$0x1E030];
	_ =	sdelay $0x4  }
0x5f: {  	v57 =	vshll.u32 v3, $0x1  }
0x60: {  	v3 =	vand.u32 $0x7, v3;
	v4 =	vand.u32 $0xFFFFFFF0, v57  }
0x61: {  	v3 =	vor.u32 v3, v4  }
0x62: {  	v4 =	vperm.xlane v3, v0;
	_ =	sdelay $0x1  }
0x63: {  	v3 =	vperm.xlane v3, v2;
	v4 =	vadd.s32 v1, v4;
	_ =	sdelay $0x1  }
0x64: {  	v3 =	vadd.s32 v1, v3;
	_ =	sdelay $0x1  }
0x65: {  	s18 =	simm.s32 $0x3000  }
0x66: {  	[tilespmem:s18], [sflag:$0x1] =	stream.indirect_vreg.gather [hbm4b:s1+s4], $0x80, v4, vm0, $0xb8;
	[tilespmem:$0x1ED00] =	vst v63  }
0x67: {  	s19 =	simm.s32 $0x3800  }
0x68: {  	[tilespmem:s19], [sflag:$0x1] =	stream.indirect_vreg.gather [hbm4b:s1+s4], $0x80, v3, vm0, $0xb8;
	[tilespmem:$0x1ED00] =	vst v63  }
0x69: {  	v3 =	vld [tilespmem:s16+$0x1E040];
	_ =	sdelay $0x4  }
0x6a: {  	v58 =	vshll.u32 v3, $0x1  }
0x6b: {  	v3 =	vand.u32 $0x7, v3;
	v4 =	vand.u32 $0xFFFFFFF0, v58  }
0x6c: {  	v3 =	vor.u32 v3, v4  }
0x6d: {  	v4 =	vperm.xlane v3, v0;
	_ =	sdelay $0x1  }
0x6e: {  	v3 =	vperm.xlane v3, v2;
	v4 =	vadd.s32 v1, v4;
	_ =	sdelay $0x1  }
0x6f: {  	v3 =	vadd.s32 v1, v3;
	_ =	sdelay $0x1  }
0x70: {  	s20 =	simm.s32 $0x4000  }
0x71: {  	[tilespmem:s20], [sflag:$0x1] =	stream.indirect_vreg.gather [hbm4b:s1+s4], $0x80, v4, vm0, $0xb8;
	[tilespmem:$0x1ED00] =	vst v63  }
0x72: {  	s18 =	simm.s32 $0x4800  }
0x73: {  	[tilespmem:s18], [sflag:$0x1] =	stream.indirect_vreg.gather [hbm4b:s1+s4], $0x80, v3, vm0, $0xb8;
	[tilespmem:$0x1ED00] =	vst v63  }
0x74: {  	v3 =	vld [tilespmem:s16+$0x1E680];
	_ =	sdelay $0x4  }
0x75: {  	v59 =	vshll.u32 v3, $0x1  }
0x76: {  	v3 =	vand.u32 $0x7, v3;
	v4 =	vand.u32 $0xFFFFFFF0, v59  }
0x77: {  	v3 =	vor.u32 v3, v4  }
0x78: {  	v4 =	vperm.xlane v3, v0;
	_ =	sdelay $0x1  }
0x79: {  	v3 =	vperm.xlane v3, v2;
	v4 =	vadd.s32 v1, v4;
	_ =	sdelay $0x1  }
0x7a: {  	v3 =	vadd.s32 v1, v3;
	_ =	sdelay $0x1  }
0x7b: {  	s19 =	simm.s32 $0xA000  }
0x7c: {  	[tilespmem:s19], [sflag:$0x3] =	stream.indirect_vreg.gather [hbm4b:s1+s4], $0x80, v4, vm0, $0xb8;
	[tilespmem:$0x1ED00] =	vst v63  }
0x7d: {  	s20 =	simm.s32 $0xA800  }
0x7e: {  	[tilespmem:s20], [sflag:$0x3] =	stream.indirect_vreg.gather [hbm4b:s1+s4], $0x80, v3, vm0, $0xb8;
	[tilespmem:$0x1ED00] =	vst v63  }
0x7f: {  	v3 =	vld [tilespmem:s16+$0x1E690];
	_ =	sdelay $0x4  }
0x80: {  	v60 =	vshll.u32 v3, $0x1  }
0x81: {  	v3 =	vand.u32 $0x7, v3;
	v4 =	vand.u32 $0xFFFFFFF0, v60  }
0x82: {  	v3 =	vor.u32 v3, v4  }
0x83: {  	v4 =	vperm.xlane v3, v0;
	_ =	sdelay $0x1  }
0x84: {  	v3 =	vperm.xlane v3, v2;
	v4 =	vadd.s32 v1, v4;
	_ =	sdelay $0x1  }
0x85: {  	v3 =	vadd.s32 v1, v3;
	_ =	sdelay $0x1  }
0x86: {  	s18 =	simm.s32 $0xB000  }
0x87: {  	[tilespmem:s18], [sflag:$0x3] =	stream.indirect_vreg.gather [hbm4b:s1+s4], $0x80, v4, vm0, $0xb8;
	[tilespmem:$0x1ED00] =	vst v63  }
0x88: {  	s19 =	simm.s32 $0xB800  }
0x89: {  	[tilespmem:s19], [sflag:$0x3] =	stream.indirect_vreg.gather [hbm4b:s1+s4], $0x80, v3, vm0, $0xb8;
	[tilespmem:$0x1ED00] =	vst v63  }
0x8a: {  	v3 =	vld [tilespmem:s16+$0x1E6A0];
	_ =	sdelay $0x4  }
0x8b: {  	v61 =	vshll.u32 v3, $0x1  }
0x8c: {  	v3 =	vand.u32 $0x7, v3;
	v4 =	vand.u32 $0xFFFFFFF0, v61  }
0x8d: {  	v3 =	vor.u32 v3, v4  }
0x8e: {  	v4 =	vperm.xlane v3, v0;
	_ =	sdelay $0x1  }
0x8f: {  	v3 =	vperm.xlane v3, v2;
	v4 =	vadd.s32 v1, v4;
	_ =	sdelay $0x1  }
0x90: {  	v3 =	vadd.s32 v1, v3;
	_ =	sdelay $0x1  }
0x91: {  	s20 =	simm.s32 $0xC000  }
0x92: {  	[tilespmem:s20], [sflag:$0x3] =	stream.indirect_vreg.gather [hbm4b:s1+s4], $0x80, v4, vm0, $0xb8;
	[tilespmem:$0x1ED00] =	vst v63  }
0x93: {  	s18 =	simm.s32 $0xC800  }
0x94: {  	[tilespmem:s18], [sflag:$0x3] =	stream.indirect_vreg.gather [hbm4b:s1+s4], $0x80, v3, vm0, $0xb8;
	[tilespmem:$0x1ED00] =	vst v63  }
0x95: {  	v3 =	vld [tilespmem:s16+$0x1E6B0];
	_ =	sdelay $0x4  }
0x96: {  	v62 =	vshll.u32 v3, $0x1  }
0x97: {  	v3 =	vand.u32 $0x7, v3;
	v4 =	vand.u32 $0xFFFFFFF0, v62  }
0x98: {  	v3 =	vor.u32 v3, v4  }
0x99: {  	v4 =	vperm.xlane v3, v0;
	_ =	sdelay $0x1  }
0x9a: {  	v3 =	vperm.xlane v3, v2;
	v4 =	vadd.s32 v1, v4;
	_ =	sdelay $0x1  }
0x9b: {  	v3 =	vadd.s32 v1, v3;
	_ =	sdelay $0x1  }
0x9c: {  	s19 =	simm.s32 $0xD000  }
0x9d: {  	[tilespmem:s19], [sflag:$0x3] =	stream.indirect_vreg.gather [hbm4b:s1+s4], $0x80, v4, vm0, $0xb8;
	[tilespmem:$0x1ED00] =	vst v63  }
0x9e: {  	s20 =	simm.s32 $0xD800  }
0x9f: {  	[tilespmem:s20], [sflag:$0x3] =	stream.indirect_vreg.gather [hbm4b:s1+s4], $0x80, v3, vm0, $0xb8;
	[tilespmem:$0x1ED00] =	vst v63  }
0xa0: {  	v3 =	vld [tilespmem:s16+$0x1E6C0];
	_ =	sdelay $0x4  }
0xa1: {  	v63 =	vshll.u32 v3, $0x1  }
0xa2: {  	v3 =	vand.u32 $0x7, v3;
	v4 =	vand.u32 $0xFFFFFFF0, v63  }
0xa3: {  	v3 =	vor.u32 v3, v4  }
0xa4: {  	v4 =	vperm.xlane v3, v0;
	_ =	sdelay $0x1  }
0xa5: {  	v3 =	vperm.xlane v3, v2;
	v4 =	vadd.s32 v1, v4;
	_ =	sdelay $0x1  }
0xa6: {  	v3 =	vadd.s32 v1, v3;
	_ =	sdelay $0x1  }
0xa7: {  	s18 =	simm.s32 $0xE000  }
0xa8: {  	[tilespmem:s18], [sflag:$0x3] =	stream.indirect_vreg.gather [hbm4b:s1+s4], $0x80, v4, vm0, $0xb8;
	[tilespmem:$0x1ED00] =	vst v63  }
0xa9: {  	s19 =	smul.u32 $0xA00, s15;
	s20 =	simm.s32 $0xE800  }
0xaa: {  	[tilespmem:s20], [sflag:$0x3] =	stream.indirect_vreg.gather [hbm4b:s1+s4], $0x80, v3, vm0, $0xb8;
	[tilespmem:$0x1ED00] =	vst v63  }
0xab: {  	s16 =	sadd.s32 s1, s19  }
0xac: {  	[tilespmem:s11], [sflag:$0x7] =	stream.linear.gather [hbm4b:s16+s4], $0x5000, $0x38;
	[tilespmem:$0x1ED00] =	vst v63  }
.LBB2_4:
0xad: {  	p4 =	sgt.s32 @!p2 s14, s6  }
0xae: {  	p4 =	por p4, p2  }
0xaf: {  	s16 =	simm.s32 @!p4 $0x6  }
0xb0: {  	_ =	swait.ge @!p4 [sflag:s16], $0x5000  }
0xb1: {  	[sflag:s16] =	ssyncset.done @!p4 $0x0  }
0xb2: {  	[sflag:s16] =	ssyncadd.s32 @!p4 $0xFFFFB000;
	s16 =	sor.u32 $0x1, s14  }
0xb3: {  	p2 =	sge.s32 s16, s6  }
.Ltmp5:
0xb4: {  	_ = 	snop;
	(pc) =	sbr.rel @p2 .LBB2_6-.Ltmp5, $4  }
0xb5: {  	s17 =	simm.s32 @!p4 $0xA  }
0xb6: {  	_ =	swait.ge @!p4 [sflag:s17], $0x5000  }
0xb7: {  	[sflag:s17] =	ssyncset.done @!p4 $0x0  }
0xb8: {  	s14 =	sadd.s32 s5, s16;
	[sflag:s17] =	ssyncadd.s32 @!p4 $0xFFFFB000  }
0xb9: {  	s16 =	smul.u32 $0x50, s16;
	_ =	sdelay $0x1  }
0xba: {  	v3 =	vld [tilespmem:s16+$0x1E000];
	_ =	sdelay $0x4  }
0xbb: {  	v4 =	vshll.u32 v3, $0x1  }
0xbc: {  	v3 =	vand.u32 $0x7, v3;
	v4 =	vand.u32 $0xFFFFFFF0, v4  }
0xbd: {  	v3 =	vor.u32 v3, v4  }
0xbe: {  	v4 =	vperm.xlane v3, v0;
	_ =	sdelay $0x1  }
0xbf: {  	v3 =	vperm.xlane v3, v2;
	v4 =	vadd.s32 v1, v4;
	_ =	sdelay $0x1  }
0xc0: {  	v3 =	vadd.s32 v1, v3;
	_ =	sdelay $0x2  }
0xc1: {  	[tilespmem:s13], [sflag:$0x2] =	stream.indirect_vreg.gather [hbm4b:s1+s4], $0x80, v4, vm0, $0xb8;
	[tilespmem:$0x1ED00] =	vst v63  }
0xc2: {  	s17 =	simm.s32 $0x5800  }
0xc3: {  	[tilespmem:s17], [sflag:$0x2] =	stream.indirect_vreg.gather [hbm4b:s1+s4], $0x80, v3, vm0, $0xb8;
	[tilespmem:$0x1ED00] =	vst v63  }
0xc4: {  	v3 =	vld [tilespmem:s16+$0x1E010];
	_ =	sdelay $0x4  }
0xc5: {  	v55 =	vshll.u32 v3, $0x1  }
0xc6: {  	v3 =	vand.u32 $0x7, v3;
	v4 =	vand.u32 $0xFFFFFFF0, v55  }
0xc7: {  	v3 =	vor.u32 v3, v4  }
0xc8: {  	v4 =	vperm.xlane v3, v0;
	_ =	sdelay $0x1  }
0xc9: {  	v3 =	vperm.xlane v3, v2;
	v4 =	vadd.s32 v1, v4;
	_ =	sdelay $0x1  }
0xca: {  	v3 =	vadd.s32 v1, v3;
	_ =	sdelay $0x1  }
0xcb: {  	s19 =	simm.s32 $0x6000  }
0xcc: {  	[tilespmem:s19], [sflag:$0x2] =	stream.indirect_vreg.gather [hbm4b:s1+s4], $0x80, v4, vm0, $0xb8;
	[tilespmem:$0x1ED00] =	vst v63  }
0xcd: {  	s20 =	simm.s32 $0x6800  }
0xce: {  	[tilespmem:s20], [sflag:$0x2] =	stream.indirect_vreg.gather [hbm4b:s1+s4], $0x80, v3, vm0, $0xb8;
	[tilespmem:$0x1ED00] =	vst v63  }
0xcf: {  	v3 =	vld [tilespmem:s16+$0x1E020];
	_ =	sdelay $0x4  }
0xd0: {  	v56 =	vshll.u32 v3, $0x1  }
0xd1: {  	v3 =	vand.u32 $0x7, v3;
	v4 =	vand.u32 $0xFFFFFFF0, v56  }
0xd2: {  	v3 =	vor.u32 v3, v4  }
0xd3: {  	v4 =	vperm.xlane v3, v0;
	_ =	sdelay $0x1  }
0xd4: {  	v3 =	vperm.xlane v3, v2;
	v4 =	vadd.s32 v1, v4;
	_ =	sdelay $0x1  }
0xd5: {  	v3 =	vadd.s32 v1, v3;
	_ =	sdelay $0x1  }
0xd6: {  	s18 =	simm.s32 $0x7000  }
0xd7: {  	[tilespmem:s18], [sflag:$0x2] =	stream.indirect_vreg.gather [hbm4b:s1+s4], $0x80, v4, vm0, $0xb8;
	[tilespmem:$0x1ED00] =	vst v63  }
0xd8: {  	s19 =	simm.s32 $0x7800  }
0xd9: {  	[tilespmem:s19], [sflag:$0x2] =	stream.indirect_vreg.gather [hbm4b:s1+s4], $0x80, v3, vm0, $0xb8;
	[tilespmem:$0x1ED00] =	vst v63  }
0xda: {  	v3 =	vld [tilespmem:s16+$0x1E030];
	_ =	sdelay $0x4  }
0xdb: {  	v57 =	vshll.u32 v3, $0x1  }
0xdc: {  	v3 =	vand.u32 $0x7, v3;
	v4 =	vand.u32 $0xFFFFFFF0, v57  }
0xdd: {  	v3 =	vor.u32 v3, v4  }
0xde: {  	v4 =	vperm.xlane v3, v0;
	_ =	sdelay $0x1  }
0xdf: {  	v3 =	vperm.xlane v3, v2;
	v4 =	vadd.s32 v1, v4;
	_ =	sdelay $0x1  }
0xe0: {  	v3 =	vadd.s32 v1, v3;
	_ =	sdelay $0x1  }
0xe1: {  	s20 =	simm.s32 $0x8000  }
0xe2: {  	[tilespmem:s20], [sflag:$0x2] =	stream.indirect_vreg.gather [hbm4b:s1+s4], $0x80, v4, vm0, $0xb8;
	[tilespmem:$0x1ED00] =	vst v63  }
0xe3: {  	s18 =	simm.s32 $0x8800  }
0xe4: {  	[tilespmem:s18], [sflag:$0x2] =	stream.indirect_vreg.gather [hbm4b:s1+s4], $0x80, v3, vm0, $0xb8;
	[tilespmem:$0x1ED00] =	vst v63  }
0xe5: {  	v3 =	vld [tilespmem:s16+$0x1E040];
	_ =	sdelay $0x4  }
0xe6: {  	v58 =	vshll.u32 v3, $0x1  }
0xe7: {  	v3 =	vand.u32 $0x7, v3;
	v4 =	vand.u32 $0xFFFFFFF0, v58  }
0xe8: {  	v3 =	vor.u32 v3, v4  }
0xe9: {  	v4 =	vperm.xlane v3, v0;
	_ =	sdelay $0x1  }
0xea: {  	v3 =	vperm.xlane v3, v2;
	v4 =	vadd.s32 v1, v4;
	_ =	sdelay $0x1  }
0xeb: {  	v3 =	vadd.s32 v1, v3;
	_ =	sdelay $0x1  }
0xec: {  	s19 =	simm.s32 $0x9000  }
0xed: {  	[tilespmem:s19], [sflag:$0x2] =	stream.indirect_vreg.gather [hbm4b:s1+s4], $0x80, v4, vm0, $0xb8;
	[tilespmem:$0x1ED00] =	vst v63  }
0xee: {  	s20 =	simm.s32 $0x9800  }
0xef: {  	[tilespmem:s20], [sflag:$0x2] =	stream.indirect_vreg.gather [hbm4b:s1+s4], $0x80, v3, vm0, $0xb8;
	[tilespmem:$0x1ED00] =	vst v63  }
0xf0: {  	v3 =	vld [tilespmem:s16+$0x1E680];
	_ =	sdelay $0x4  }
0xf1: {  	v59 =	vshll.u32 v3, $0x1  }
0xf2: {  	v3 =	vand.u32 $0x7, v3;
	v4 =	vand.u32 $0xFFFFFFF0, v59  }
0xf3: {  	v3 =	vor.u32 v3, v4  }
0xf4: {  	v4 =	vperm.xlane v3, v0;
	_ =	sdelay $0x1  }
0xf5: {  	v3 =	vperm.xlane v3, v2;
	v4 =	vadd.s32 v1, v4;
	_ =	sdelay $0x1  }
0xf6: {  	v3 =	vadd.s32 v1, v3;
	_ =	sdelay $0x1  }
0xf7: {  	s18 =	simm.s32 $0xF000  }
0xf8: {  	[tilespmem:s18], [sflag:$0x4] =	stream.indirect_vreg.gather [hbm4b:s1+s4], $0x80, v4, vm0, $0xb8;
	[tilespmem:$0x1ED00] =	vst v63  }
0xf9: {  	s19 =	simm.s32 $0xF800  }
0xfa: {  	[tilespmem:s19], [sflag:$0x4] =	stream.indirect_vreg.gather [hbm4b:s1+s4], $0x80, v3, vm0, $0xb8;
	[tilespmem:$0x1ED00] =	vst v63  }
0xfb: {  	v3 =	vld [tilespmem:s16+$0x1E690];
	_ =	sdelay $0x4  }
0xfc: {  	v60 =	vshll.u32 v3, $0x1  }
0xfd: {  	v3 =	vand.u32 $0x7, v3;
	v4 =	vand.u32 $0xFFFFFFF0, v60  }
0xfe: {  	v3 =	vor.u32 v3, v4  }
0xff: {  	v4 =	vperm.xlane v3, v0;
	_ =	sdelay $0x1  }
0x100: {  	v3 =	vperm.xlane v3, v2;
	v4 =	vadd.s32 v1, v4;
	_ =	sdelay $0x1  }
0x101: {  	v3 =	vadd.s32 v1, v3;
	_ =	sdelay $0x2  }
0x102: {  	[tilespmem:s21], [sflag:$0x4] =	stream.indirect_vreg.gather [hbm4b:s1+s4], $0x80, v4, vm0, $0xb8;
	[tilespmem:$0x1ED00] =	vst v63  }
0x103: {  	_ = 	snop  }
0x104: {  	[tilespmem:s22], [sflag:$0x4] =	stream.indirect_vreg.gather [hbm4b:s1+s4], $0x80, v3, vm0, $0xb8;
	[tilespmem:$0x1ED00] =	vst v63  }
0x105: {  	v3 =	vld [tilespmem:s16+$0x1E6A0];
	_ =	sdelay $0x4  }
0x106: {  	v61 =	vshll.u32 v3, $0x1  }
0x107: {  	v3 =	vand.u32 $0x7, v3;
	v4 =	vand.u32 $0xFFFFFFF0, v61  }
0x108: {  	v3 =	vor.u32 v3, v4  }
0x109: {  	v4 =	vperm.xlane v3, v0;
	_ =	sdelay $0x1  }
0x10a: {  	v3 =	vperm.xlane v3, v2;
	v4 =	vadd.s32 v1, v4;
	_ =	sdelay $0x1  }
0x10b: {  	v3 =	vadd.s32 v1, v3;
	_ =	sdelay $0x2  }
0x10c: {  	[tilespmem:s23], [sflag:$0x4] =	stream.indirect_vreg.gather [hbm4b:s1+s4], $0x80, v4, vm0, $0xb8;
	[tilespmem:$0x1ED00] =	vst v63  }
0x10d: {  	_ = 	snop  }
0x10e: {  	[tilespmem:s24], [sflag:$0x4] =	stream.indirect_vreg.gather [hbm4b:s1+s4], $0x80, v3, vm0, $0xb8;
	[tilespmem:$0x1ED00] =	vst v63  }
0x10f: {  	v3 =	vld [tilespmem:s16+$0x1E6B0];
	_ =	sdelay $0x4  }
0x110: {  	v62 =	vshll.u32 v3, $0x1  }
0x111: {  	v3 =	vand.u32 $0x7, v3;
	v4 =	vand.u32 $0xFFFFFFF0, v62  }
0x112: {  	v3 =	vor.u32 v3, v4  }
0x113: {  	v4 =	vperm.xlane v3, v0;
	_ =	sdelay $0x1  }
0x114: {  	v3 =	vperm.xlane v3, v2;
	v4 =	vadd.s32 v1, v4;
	_ =	sdelay $0x1  }
0x115: {  	v3 =	vadd.s32 v1, v3;
	_ =	sdelay $0x2  }
0x116: {  	[tilespmem:s25], [sflag:$0x4] =	stream.indirect_vreg.gather [hbm4b:s1+s4], $0x80, v4, vm0, $0xb8;
	[tilespmem:$0x1ED00] =	vst v63  }
0x117: {  	_ = 	snop  }
0x118: {  	[tilespmem:s26], [sflag:$0x4] =	stream.indirect_vreg.gather [hbm4b:s1+s4], $0x80, v3, vm0, $0xb8;
	[tilespmem:$0x1ED00] =	vst v63  }
0x119: {  	v3 =	vld [tilespmem:s16+$0x1E6C0];
	_ =	sdelay $0x4  }
0x11a: {  	v63 =	vshll.u32 v3, $0x1  }
0x11b: {  	v3 =	vand.u32 $0x7, v3;
	v4 =	vand.u32 $0xFFFFFFF0, v63  }
0x11c: {  	v3 =	vor.u32 v3, v4  }
0x11d: {  	v4 =	vperm.xlane v3, v0;
	_ =	sdelay $0x1  }
0x11e: {  	v3 =	vperm.xlane v3, v2;
	v4 =	vadd.s32 v1, v4;
	_ =	sdelay $0x1  }
0x11f: {  	v3 =	vadd.s32 v1, v3;
	_ =	sdelay $0x2  }
0x120: {  	[tilespmem:s28], [sflag:$0x4] =	stream.indirect_vreg.gather [hbm4b:s1+s4], $0x80, v4, vm0, $0xb8;
	[tilespmem:$0x1ED00] =	vst v63  }
0x121: {  	s20 =	smul.u32 $0xA00, s14  }
0x122: {  	[tilespmem:s29], [sflag:$0x4] =	stream.indirect_vreg.gather [hbm4b:s1+s4], $0x80, v3, vm0, $0xb8;
	[tilespmem:$0x1ED00] =	vst v63  }
0x123: {  	s16 =	sadd.s32 s1, s20  }
0x124: {  	[tilespmem:s30], [sflag:$0x8] =	stream.linear.gather [hbm4b:s16+s4], $0x5000, $0x38;
	[tilespmem:$0x1ED00] =	vst v63  }
.LBB2_6:
.Ltmp6:
0x125: {  	(pc) =	sbr.rel @p3 .LBB2_10-.Ltmp6, $1  }
0x126: {  	_ =	sdelay $0x3  }
0x127: {  	_ =	swait.ge [sflag:s31], $0x5000;
	s16 =	smul.u32 $0xA00, s15  }
0x128: {  	[sflag:s31] =	ssyncset.done $0x0  }
0x129: {  	s17 =	simm.s32 $0x0;
	[sflag:s31] =	ssyncadd.s32 $0xFFFFB000;
	s16 =	sadd.s32 s3, s16  }
0x12a: {  	[hbm4b:s16+s17] =	stream.linear.scatter [tilespmem:s11], [sflag:$0x9], $0x5000, $0x38;
	[tilespmem:$0x1ED00] =	vst v63  }
0x12b: {  	_ =	swait.ge [sflag:s2], $0x5000  }
0x12c: {  	[sflag:s2] =	ssyncset.done $0x0  }
0x12d: {  	[sflag:s2] =	ssyncadd.s32 $0xFFFFB000  }
0x12e: {  	_ =	swait.ge [sflag:s0], $0x5000  }
0x12f: {  	s20 =	sand.u32 $0x7800, s17;
	s17 =	sand.u32 $0x380, s17;
	[sflag:s0] =	ssyncset.done $0x0  }
0x130: {  	s16 =	sor.u32 s17, s20;
	[sflag:s0] =	ssyncadd.s32 $0xFFFFB000  }
0x131: {  	v10 =	vld [tilespmem:s16+$0xA000]  }
0x132: {  	v11 =	vld [tilespmem:s16+$0xA010]  }
0x133: {  	v12 =	vld [tilespmem:s16+$0xA020]  }
0x134: {  	v13 =	vld [tilespmem:s16+$0xA030]  }
0x135: {  	v14 =	vld [tilespmem:s16+$0xA040]  }
0x136: {  	v15 =	vld [tilespmem:s16+$0xA050]  }
0x137: {  	v16 =	vld [tilespmem:s16+$0xA060]  }
0x138: {  	v18 =	vld [tilespmem:s16+$0xA070]  }
0x139: {  	v19 =	vld [tilespmem:s16+$0xA400]  }
0x13a: {  	v9 =	vld [tilespmem:s16+$0xA410]  }
0x13b: {  	v8 =	vld [tilespmem:s16+$0xA420]  }
0x13c: {  	v7 =	vld [tilespmem:s16+$0xA430]  }
0x13d: {  	v6 =	vld [tilespmem:s16+$0xA440]  }
0x13e: {  	v5 =	vld [tilespmem:s16+$0xA450]  }
0x13f: {  	v4 =	vld [tilespmem:s16+$0xA460]  }
0x140: {  	v3 =	vld [tilespmem:s16+$0xA470]  }
0x141: {  	v17 =	vld [tilespmem:s16+$0x0]  }
0x142: {  	v20 =	vld [tilespmem:s16+$0x10]  }
0x143: {  	v21 =	vld [tilespmem:s16+$0x20]  }
0x144: {  	v22 =	vld [tilespmem:s16+$0x30]  }
0x145: {  	v23 =	vld [tilespmem:s16+$0x40]  }
0x146: {  	v10 =	vadd.f32 v10, v17;
	v17 =	vld [tilespmem:s16+$0x50]  }
0x147: {  	v11 =	vadd.f32 v11, v20;
	v20 =	vld [tilespmem:s16+$0x60]  }
0x148: {  	v63 =	vld [tilespmem:s16+$0x70];
	v12 =	vadd.f32 v12, v21;
	v10 =	vmul.f32 $5.000000000e-01, v10  }
0x149: {  	v24 =	vld [tilespmem:s16+$0x400];
	v22 =	vadd.f32 v13, v22;
	v11 =	vmul.f32 $5.000000000e-01, v11  }
0x14a: {  	v14 =	vadd.f32 v14, v23;
	v13 =	vld [tilespmem:s16+$0x410];
	[tilespmem:s16+$0x0] =	vst v10;
	v10 =	vmul.f32 $5.000000000e-01, v12  }
0x14b: {  	[tilespmem:s16+$0x10] =	vst v11;
	v11 =	vmul.f32 $5.000000000e-01, v22;
	v12 =	vld [tilespmem:s16+$0x420];
	v15 =	vadd.f32 v15, v17  }
0x14c: {  	v14 =	vmul.f32 $5.000000000e-01, v14;
	v16 =	vadd.f32 v16, v20;
	[tilespmem:s16+$0x20] =	vst v10;
	v10 =	vld [tilespmem:s16+$0x430]  }
0x14d: {  	v18 =	vadd.f32 v18, v63;
	[tilespmem:s16+$0x30] =	vst v11;
	v11 =	vld [tilespmem:s16+$0x440];
	v17 =	vmul.f32 $5.000000000e-01, v15  }
0x14e: {  	s18 =	simm.s32 $0x100;
	s17 =	simm.s32 $0x80;
	[tilespmem:s16+$0x40] =	vst v14;
	v14 =	vld [tilespmem:s16+$0x450];
	v15 =	vmul.f32 $5.000000000e-01, v16;
	v16 =	vadd.f32 v19, v24  }
.LBB2_8:
0x14f: {  	s19 =	sand.u32 $0x7800, s18;
	s20 =	sand.u32 $0x380, s17;
	p3 =	sne.s32 s18, $0x4F00;
	[tilespmem:s16+$0x50] =	vst v17;
	v17 =	vmul.f32 $5.000000000e-01, v18;
	v9 =	vadd.f32 v9, v13;
	v13 =	vld [tilespmem:s16+$0x460]  }
0x150: {  	s19 =	sor.u32 s20, s19;
	[tilespmem:s16+$0x60] =	vst v15;
	v15 =	vmul.f32 $5.000000000e-01, v16;
	v8 =	vadd.f32 v8, v12;
	v12 =	vld [tilespmem:s16+$0x470]  }
0x151: {  	v16 =	vld [tilespmem:s19+$0xA000];
	[tilespmem:s16+$0x70] =	vst v17;
	v9 =	vmul.f32 $5.000000000e-01, v9;
	v7 =	vadd.f32 v7, v10  }
0x152: {  	v10 =	vld [tilespmem:s19+$0xA010];
	[tilespmem:s16+$0x400] =	vst v15;
	v8 =	vmul.f32 $5.000000000e-01, v8;
	v6 =	vadd.f32 v6, v11  }
0x153: {  	v11 =	vld [tilespmem:s19+$0xA020];
	[tilespmem:s16+$0x410] =	vst v9;
	v7 =	vmul.f32 $5.000000000e-01, v7;
	v5 =	vadd.f32 v5, v14  }
0x154: {  	v14 =	vld [tilespmem:s19+$0xA030];
	[tilespmem:s16+$0x420] =	vst v8;
	v6 =	vmul.f32 $5.000000000e-01, v6;
	v4 =	vadd.f32 v4, v13  }
0x155: {  	v13 =	vld [tilespmem:s19+$0xA040];
	[tilespmem:s16+$0x430] =	vst v7;
	v5 =	vmul.f32 $5.000000000e-01, v5;
	v3 =	vadd.f32 v3, v12  }
0x156: {  	v12 =	vld [tilespmem:s19+$0xA050];
	[tilespmem:s16+$0x440] =	vst v6;
	v4 =	vmul.f32 $5.000000000e-01, v4  }
0x157: {  	v15 =	vld [tilespmem:s19+$0xA060];
	[tilespmem:s16+$0x450] =	vst v5;
	v3 =	vmul.f32 $5.000000000e-01, v3  }
0x158: {  	v18 =	vld [tilespmem:s19+$0xA070];
	[tilespmem:s16+$0x460] =	vst v4  }
0x159: {  	v19 =	vld [tilespmem:s19+$0xA400];
	[tilespmem:s16+$0x470] =	vst v3;
	s16 =	smov.u32 s19  }
0x15a: {  	v9 =	vld [tilespmem:s16+$0xA410]  }
0x15b: {  	v8 =	vld [tilespmem:s16+$0xA420]  }
0x15c: {  	v7 =	vld [tilespmem:s16+$0xA430]  }
0x15d: {  	v6 =	vld [tilespmem:s16+$0xA440]  }
0x15e: {  	v5 =	vld [tilespmem:s16+$0xA450]  }
0x15f: {  	v4 =	vld [tilespmem:s16+$0xA460]  }
0x160: {  	v3 =	vld [tilespmem:s16+$0xA470]  }
0x161: {  	v17 =	vld [tilespmem:s16+$0x0]  }
0x162: {  	v20 =	vld [tilespmem:s16+$0x10]  }
0x163: {  	v21 =	vld [tilespmem:s16+$0x20]  }
0x164: {  	v22 =	vld [tilespmem:s16+$0x30]  }
0x165: {  	v23 =	vld [tilespmem:s16+$0x40]  }
0x166: {  	v16 =	vadd.f32 v16, v17;
	v17 =	vld [tilespmem:s16+$0x50]  }
0x167: {  	v10 =	vadd.f32 v10, v20;
	v20 =	vld [tilespmem:s16+$0x60]  }
0x168: {  	v16 =	vmul.f32 $5.000000000e-01, v16;
	v11 =	vadd.f32 v11, v21;
	v21 =	vld [tilespmem:s16+$0x70]  }
0x169: {  	v10 =	vmul.f32 $5.000000000e-01, v10;
	v14 =	vadd.f32 v14, v22;
	v22 =	vld [tilespmem:s16+$0x400]  }
.Ltmp7:
0x16a: {  	[tilespmem:s16+$0x0] =	vst v16;
	v11 =	vmul.f32 $5.000000000e-01, v11;
	v16 =	vadd.f32 v13, v23;
	v13 =	vld [tilespmem:s16+$0x410];
	(pc) =	sbr.rel @p3 .LBB2_8-.Ltmp7, $4  }
0x16b: {  	[tilespmem:s16+$0x10] =	vst v10;
	v14 =	vmul.f32 $5.000000000e-01, v14;
	v17 =	vadd.f32 v12, v17;
	v12 =	vld [tilespmem:s16+$0x420]  }
0x16c: {  	[tilespmem:s16+$0x20] =	vst v11;
	v16 =	vmul.f32 $5.000000000e-01, v16;
	v15 =	vadd.f32 v15, v20;
	v10 =	vld [tilespmem:s16+$0x430]  }
0x16d: {  	[tilespmem:s16+$0x30] =	vst v14;
	v17 =	vmul.f32 $5.000000000e-01, v17;
	v18 =	vadd.f32 v18, v21;
	v11 =	vld [tilespmem:s16+$0x440]  }
0x16e: {  	s17 =	sadd.s32 $0x80, s17;
	s18 =	sadd.s32 $0x100, s18;
	[tilespmem:s16+$0x40] =	vst v16;
	v15 =	vmul.f32 $5.000000000e-01, v15;
	v16 =	vadd.f32 v19, v22;
	v14 =	vld [tilespmem:s16+$0x450]  }
0x16f: {  	[tilespmem:s16+$0x50] =	vst v17;
	v60 =	vmul.f32 $5.000000000e-01, v18;
	v9 =	vadd.f32 v9, v13;
	v61 =	vld [tilespmem:s16+$0x460]  }
0x170: {  	v63 =	vld [tilespmem:s16+$0x470];
	[tilespmem:s16+$0x60] =	vst v15;
	v62 =	vmul.f32 $5.000000000e-01, v16;
	v8 =	vadd.f32 v8, v12  }
0x171: {  	[tilespmem:s16+$0x70] =	vst v60;
	v9 =	vmul.f32 $5.000000000e-01, v9;
	v7 =	vadd.f32 v7, v10  }
0x172: {  	[tilespmem:s16+$0x400] =	vst v62;
	v8 =	vmul.f32 $5.000000000e-01, v8;
	v6 =	vadd.f32 v6, v11  }
0x173: {  	[tilespmem:s16+$0x410] =	vst v9;
	v7 =	vmul.f32 $5.000000000e-01, v7;
	v5 =	vadd.f32 v5, v14  }
0x174: {  	[tilespmem:s16+$0x420] =	vst v8;
	v6 =	vmul.f32 $5.000000000e-01, v6;
	v4 =	vadd.f32 v4, v61  }
0x175: {  	s15 =	smul.u32 $0x5000, s15;
	v3 =	vadd.f32 v3, v63;
	[tilespmem:s16+$0x430] =	vst v7;
	v5 =	vmul.f32 $5.000000000e-01, v5  }
0x176: {  	[tilespmem:s16+$0x440] =	vst v6;
	v4 =	vmul.f32 $5.000000000e-01, v4  }
0x177: {  	s15 =	sshrl.u32 s15, $0x3;
	v3 =	vmul.f32 $5.000000000e-01, v3;
	[tilespmem:s16+$0x450] =	vst v5  }
0x178: {  	s15 =	sadd.s32 s3, s15;
	[tilespmem:s16+$0x460] =	vst v4  }
0x179: {  	s15 =	sadd.s32 $0x186A00, s15;
	[tilespmem:s16+$0x470] =	vst v3  }
0x17a: {  	[hbm4b:s15+s4] =	stream.linear.scatter [tilespmem:s4], [sflag:$0x5], $0x5000, $0x38;
	[tilespmem:$0x1ED00] =	vst v63  }
.LBB2_10:
.Ltmp8:
0x17b: {  	(pc) =	sbr.rel @p2 .LBB2_14-.Ltmp8, $1  }
0x17c: {  	_ =	sdelay $0x3  }
0x17d: {  	_ =	swait.ge [sflag:s7], $0x5000;
	s15 =	smul.u32 $0xA00, s14  }
0x17e: {  	[sflag:s7] =	ssyncset.done $0x0  }
0x17f: {  	s16 =	simm.s32 $0x0;
	[sflag:s7] =	ssyncadd.s32 $0xFFFFB000;
	s15 =	sadd.s32 s3, s15  }
0x180: {  	[hbm4b:s15+s16] =	stream.linear.scatter [tilespmem:s30], [sflag:$0xA], $0x5000, $0x38;
	[tilespmem:$0x1ED00] =	vst v63  }
0x181: {  	_ =	swait.ge [sflag:s8], $0x5000  }
0x182: {  	[sflag:s8] =	ssyncset.done $0x0  }
0x183: {  	[sflag:s8] =	ssyncadd.s32 $0xFFFFB000  }
0x184: {  	_ =	swait.ge [sflag:s10], $0x5000  }
0x185: {  	s20 =	sand.u32 $0x7800, s16;
	s16 =	sand.u32 $0x380, s16;
	[sflag:s10] =	ssyncset.done $0x0  }
0x186: {  	s15 =	sor.u32 s16, s20;
	[sflag:s10] =	ssyncadd.s32 $0xFFFFB000  }
0x187: {  	v10 =	vld [tilespmem:s15+$0xF000]  }
0x188: {  	v11 =	vld [tilespmem:s15+$0xF010]  }
0x189: {  	v12 =	vld [tilespmem:s15+$0xF020]  }
0x18a: {  	v13 =	vld [tilespmem:s15+$0xF030]  }
0x18b: {  	v14 =	vld [tilespmem:s15+$0xF040]  }
0x18c: {  	v15 =	vld [tilespmem:s15+$0xF050]  }
0x18d: {  	v16 =	vld [tilespmem:s15+$0xF060]  }
0x18e: {  	v18 =	vld [tilespmem:s15+$0xF070]  }
0x18f: {  	v19 =	vld [tilespmem:s15+$0xF400]  }
0x190: {  	v9 =	vld [tilespmem:s15+$0xF410]  }
0x191: {  	v8 =	vld [tilespmem:s15+$0xF420]  }
0x192: {  	v7 =	vld [tilespmem:s15+$0xF430]  }
0x193: {  	v6 =	vld [tilespmem:s15+$0xF440]  }
0x194: {  	v5 =	vld [tilespmem:s15+$0xF450]  }
0x195: {  	v4 =	vld [tilespmem:s15+$0xF460]  }
0x196: {  	v3 =	vld [tilespmem:s15+$0xF470]  }
0x197: {  	v17 =	vld [tilespmem:s15+$0x5000]  }
0x198: {  	v20 =	vld [tilespmem:s15+$0x5010]  }
0x199: {  	v21 =	vld [tilespmem:s15+$0x5020]  }
0x19a: {  	v22 =	vld [tilespmem:s15+$0x5030]  }
0x19b: {  	v23 =	vld [tilespmem:s15+$0x5040]  }
0x19c: {  	v10 =	vadd.f32 v10, v17;
	v17 =	vld [tilespmem:s15+$0x5050]  }
0x19d: {  	v11 =	vadd.f32 v11, v20;
	v20 =	vld [tilespmem:s15+$0x5060]  }
0x19e: {  	v63 =	vld [tilespmem:s15+$0x5070];
	v12 =	vadd.f32 v12, v21;
	v10 =	vmul.f32 $5.000000000e-01, v10  }
0x19f: {  	v24 =	vld [tilespmem:s15+$0x5400];
	v22 =	vadd.f32 v13, v22;
	v11 =	vmul.f32 $5.000000000e-01, v11  }
0x1a0: {  	v14 =	vadd.f32 v14, v23;
	v13 =	vld [tilespmem:s15+$0x5410];
	[tilespmem:s15+$0x5000] =	vst v10;
	v10 =	vmul.f32 $5.000000000e-01, v12  }
0x1a1: {  	[tilespmem:s15+$0x5010] =	vst v11;
	v11 =	vmul.f32 $5.000000000e-01, v22;
	v12 =	vld [tilespmem:s15+$0x5420];
	v15 =	vadd.f32 v15, v17  }
0x1a2: {  	v14 =	vmul.f32 $5.000000000e-01, v14;
	v16 =	vadd.f32 v16, v20;
	[tilespmem:s15+$0x5020] =	vst v10;
	v10 =	vld [tilespmem:s15+$0x5430]  }
0x1a3: {  	v18 =	vadd.f32 v18, v63;
	[tilespmem:s15+$0x5030] =	vst v11;
	v11 =	vld [tilespmem:s15+$0x5440];
	v17 =	vmul.f32 $5.000000000e-01, v15  }
0x1a4: {  	s17 =	simm.s32 $0x100;
	s16 =	simm.s32 $0x80;
	[tilespmem:s15+$0x5040] =	vst v14;
	v14 =	vld [tilespmem:s15+$0x5450];
	v15 =	vmul.f32 $5.000000000e-01, v16;
	v16 =	vadd.f32 v19, v24  }
.LBB2_12:
0x1a5: {  	s18 =	sand.u32 $0x7800, s17;
	s19 =	sand.u32 $0x380, s16;
	p2 =	sne.s32 s17, $0x4F00;
	[tilespmem:s15+$0x5050] =	vst v17;
	v17 =	vmul.f32 $5.000000000e-01, v18;
	v9 =	vadd.f32 v9, v13;
	v13 =	vld [tilespmem:s15+$0x5460]  }
0x1a6: {  	s18 =	sor.u32 s19, s18;
	[tilespmem:s15+$0x5060] =	vst v15;
	v15 =	vmul.f32 $5.000000000e-01, v16;
	v8 =	vadd.f32 v8, v12;
	v12 =	vld [tilespmem:s15+$0x5470]  }
0x1a7: {  	v16 =	vld [tilespmem:s18+$0xF000];
	[tilespmem:s15+$0x5070] =	vst v17;
	v9 =	vmul.f32 $5.000000000e-01, v9;
	v7 =	vadd.f32 v7, v10  }
0x1a8: {  	v10 =	vld [tilespmem:s18+$0xF010];
	[tilespmem:s15+$0x5400] =	vst v15;
	v8 =	vmul.f32 $5.000000000e-01, v8;
	v6 =	vadd.f32 v6, v11  }
0x1a9: {  	v11 =	vld [tilespmem:s18+$0xF020];
	[tilespmem:s15+$0x5410] =	vst v9;
	v7 =	vmul.f32 $5.000000000e-01, v7;
	v5 =	vadd.f32 v5, v14  }
0x1aa: {  	v14 =	vld [tilespmem:s18+$0xF030];
	[tilespmem:s15+$0x5420] =	vst v8;
	v6 =	vmul.f32 $5.000000000e-01, v6;
	v4 =	vadd.f32 v4, v13  }
0x1ab: {  	v13 =	vld [tilespmem:s18+$0xF040];
	[tilespmem:s15+$0x5430] =	vst v7;
	v5 =	vmul.f32 $5.000000000e-01, v5;
	v3 =	vadd.f32 v3, v12  }
0x1ac: {  	v12 =	vld [tilespmem:s18+$0xF050];
	[tilespmem:s15+$0x5440] =	vst v6;
	v4 =	vmul.f32 $5.000000000e-01, v4  }
0x1ad: {  	v15 =	vld [tilespmem:s18+$0xF060];
	[tilespmem:s15+$0x5450] =	vst v5;
	v3 =	vmul.f32 $5.000000000e-01, v3  }
0x1ae: {  	v18 =	vld [tilespmem:s18+$0xF070];
	[tilespmem:s15+$0x5460] =	vst v4  }
0x1af: {  	v19 =	vld [tilespmem:s18+$0xF400];
	[tilespmem:s15+$0x5470] =	vst v3;
	s15 =	smov.u32 s18  }
0x1b0: {  	v9 =	vld [tilespmem:s15+$0xF410]  }
0x1b1: {  	v8 =	vld [tilespmem:s15+$0xF420]  }
0x1b2: {  	v7 =	vld [tilespmem:s15+$0xF430]  }
0x1b3: {  	v6 =	vld [tilespmem:s15+$0xF440]  }
0x1b4: {  	v5 =	vld [tilespmem:s15+$0xF450]  }
0x1b5: {  	v4 =	vld [tilespmem:s15+$0xF460]  }
0x1b6: {  	v3 =	vld [tilespmem:s15+$0xF470]  }
0x1b7: {  	v17 =	vld [tilespmem:s15+$0x5000]  }
0x1b8: {  	v20 =	vld [tilespmem:s15+$0x5010]  }
0x1b9: {  	v21 =	vld [tilespmem:s15+$0x5020]  }
0x1ba: {  	v22 =	vld [tilespmem:s15+$0x5030]  }
0x1bb: {  	v23 =	vld [tilespmem:s15+$0x5040]  }
0x1bc: {  	v16 =	vadd.f32 v16, v17;
	v17 =	vld [tilespmem:s15+$0x5050]  }
0x1bd: {  	v10 =	vadd.f32 v10, v20;
	v20 =	vld [tilespmem:s15+$0x5060]  }
0x1be: {  	v16 =	vmul.f32 $5.000000000e-01, v16;
	v11 =	vadd.f32 v11, v21;
	v21 =	vld [tilespmem:s15+$0x5070]  }
0x1bf: {  	v10 =	vmul.f32 $5.000000000e-01, v10;
	v14 =	vadd.f32 v14, v22;
	v22 =	vld [tilespmem:s15+$0x5400]  }
.Ltmp9:
0x1c0: {  	[tilespmem:s15+$0x5000] =	vst v16;
	v11 =	vmul.f32 $5.000000000e-01, v11;
	v16 =	vadd.f32 v13, v23;
	v13 =	vld [tilespmem:s15+$0x5410];
	(pc) =	sbr.rel @p2 .LBB2_12-.Ltmp9, $4  }
0x1c1: {  	[tilespmem:s15+$0x5010] =	vst v10;
	v14 =	vmul.f32 $5.000000000e-01, v14;
	v17 =	vadd.f32 v12, v17;
	v12 =	vld [tilespmem:s15+$0x5420]  }
0x1c2: {  	[tilespmem:s15+$0x5020] =	vst v11;
	v16 =	vmul.f32 $5.000000000e-01, v16;
	v15 =	vadd.f32 v15, v20;
	v10 =	vld [tilespmem:s15+$0x5430]  }
0x1c3: {  	[tilespmem:s15+$0x5030] =	vst v14;
	v17 =	vmul.f32 $5.000000000e-01, v17;
	v18 =	vadd.f32 v18, v21;
	v11 =	vld [tilespmem:s15+$0x5440]  }
0x1c4: {  	s16 =	sadd.s32 $0x80, s16;
	s17 =	sadd.s32 $0x100, s17;
	[tilespmem:s15+$0x5040] =	vst v16;
	v15 =	vmul.f32 $5.000000000e-01, v15;
	v16 =	vadd.f32 v19, v22;
	v14 =	vld [tilespmem:s15+$0x5450]  }
0x1c5: {  	[tilespmem:s15+$0x5050] =	vst v17;
	v60 =	vmul.f32 $5.000000000e-01, v18;
	v9 =	vadd.f32 v9, v13;
	v61 =	vld [tilespmem:s15+$0x5460]  }
0x1c6: {  	v63 =	vld [tilespmem:s15+$0x5470];
	[tilespmem:s15+$0x5060] =	vst v15;
	v62 =	vmul.f32 $5.000000000e-01, v16;
	v8 =	vadd.f32 v8, v12  }
0x1c7: {  	[tilespmem:s15+$0x5070] =	vst v60;
	v9 =	vmul.f32 $5.000000000e-01, v9;
	v7 =	vadd.f32 v7, v10  }
0x1c8: {  	[tilespmem:s15+$0x5400] =	vst v62;
	v8 =	vmul.f32 $5.000000000e-01, v8;
	v6 =	vadd.f32 v6, v11  }
0x1c9: {  	[tilespmem:s15+$0x5410] =	vst v9;
	v7 =	vmul.f32 $5.000000000e-01, v7;
	v5 =	vadd.f32 v5, v14  }
0x1ca: {  	[tilespmem:s15+$0x5420] =	vst v8;
	v6 =	vmul.f32 $5.000000000e-01, v6;
	v4 =	vadd.f32 v4, v61  }
0x1cb: {  	s14 =	smul.u32 $0x5000, s14;
	v3 =	vadd.f32 v3, v63;
	[tilespmem:s15+$0x5430] =	vst v7;
	v5 =	vmul.f32 $5.000000000e-01, v5  }
.Ltmp10:
0x1cc: {  	[tilespmem:s15+$0x5440] =	vst v6;
	v4 =	vmul.f32 $5.000000000e-01, v4;
	(pc) =	sbr.rel .LBB2_14-.Ltmp10, $4  }
0x1cd: {  	s14 =	sshrl.u32 s14, $0x3;
	v3 =	vmul.f32 $5.000000000e-01, v3;
	[tilespmem:s15+$0x5450] =	vst v5  }
0x1ce: {  	s14 =	sadd.s32 s3, s14;
	[tilespmem:s15+$0x5460] =	vst v4  }
0x1cf: {  	s14 =	sadd.s32 $0x186A00, s14;
	[tilespmem:s15+$0x5470] =	vst v3  }
0x1d0: {  	[hbm4b:s14+s4] =	stream.linear.scatter [tilespmem:s13], [sflag:$0x6], $0x5000, $0x38;
	[tilespmem:$0x1ED00] =	vst v63  }
.LBB2_16:
0x1d1: {  	_ =	sfence.sel $0x180000  }
0x1d2: {  	[bflag:$0x0] =	sbarrier.arrive $0xFFFF  }
0x1d3: {  	_ =	strace $0x90000047  }
0x1d4: {  	s0 =	stileid.u32;
	[bflag:$0x2] =	sbarrier.arrive $0xFFFF  }
0x1d5: {  	p0 =	sne.s32 s0, $0x0;
	s0 =	rddreg [dreg:$0x4]  }
0x1d6: {  	s0 =	sadd.s32 @!p0 $0x100000, s0  }
0x1d7: {  	[sflag:s0] =	ssyncadd.tile.s32 @!p0 $0x1;
	_ =	shalt  }
.Lfunc_end2:
_tile_overlayer_lowered:
.L_overlay_start_2:
0x1d8: {  	(tag) =	ssettag $0x2  }
0x1d9: {  	s0 =	rddreg [dreg:$0x0];
	s2 =	stileid.u32  }
0x1da: {  	s1 =	rddreg [dreg:$0x1];
	p0 =	sne.s32 s2, $0x0  }
0x1db: {  	s3 =	rddreg [dreg:$0x2];
	[bflag:$0x3] =	sbarrier.arrive $0xFFFF;
	s2 =	simm.s32 @!p0 $0x1C0B  }
0x1dc: {  	[timem:s3], [sflag:s2] =	dma.local @!p0 [hbm:s0], s1  }
0x1dd: {  	s0 =	simm.s32 @!p0 $0xB  }
0x1de: {  	_ =	swait.ge @!p0 [sflag:s0], s1  }
0x1df: {  	s1 =	ssub.s32 @!p0 $0x0, s1;
	[sflag:s0] =	ssyncset.done @!p0 $0x0  }
0x1e0: {  	[sflag:s0] =	ssyncadd.s32 @!p0 s1  }
0x1e1: {  	[bflag:$0x3] =	sbarrier.arrive $0xFFFF  }
0x1e2: {  	_ =	shalt  }

</sc_bundles>
